<compile_context>
chip_gen: v7x
topology: tpu7x:2x2x1
jax: 0.10.2.dev20260603
libtpu: 0.0.44.dev20260713+nightly
codegen_flags: <defaults>
</compile_context>

<pallas_src>
import functools

import jax
import jax.numpy as jnp
from jax import lax
from jax.experimental import pallas as pl
from jax.experimental.pallas import tpu as pltpu
from jax.experimental.pallas import tpu_sc as plsc

N = 131072
HROWS = N // 2
NDAYS = 256
NC = 2
NS = 16
L = 16
NW = NC * NS
CHUNK = N // NW
RCHUNK = HROWS // NW
STEPS = RCHUNK // L
UNROLL = 4
ECLAMP = 21.0


def _sc_body(x0_h, x1_h, t0_h, t1_h, w_hbm, d_hbm, pi_out, pres_out,
             x0a_v, x0b_v, x1a_v, x1b_v, t0a_v, t0b_v, t1a_v, t1b_v,
             w_v, d_v, acc, pres, pilocal, sem):
    wid = lax.axis_index("s") * NC + lax.axis_index("c")
    rbase = wid * RCHUNK
    ebase = wid * CHUNK

    copies = [
        pltpu.async_copy(x0_h.at[pl.ds(rbase, RCHUNK)], x0a_v, sem),
        pltpu.async_copy(x0_h.at[pl.ds(rbase + HROWS, RCHUNK)], x0b_v, sem),
        pltpu.async_copy(x1_h.at[pl.ds(rbase, RCHUNK)], x1a_v, sem),
        pltpu.async_copy(x1_h.at[pl.ds(rbase + HROWS, RCHUNK)], x1b_v, sem),
        pltpu.async_copy(t0_h.at[pl.ds(rbase, RCHUNK)], t0a_v, sem),
        pltpu.async_copy(t0_h.at[pl.ds(rbase + HROWS, RCHUNK)], t0b_v, sem),
        pltpu.async_copy(t1_h.at[pl.ds(rbase, RCHUNK)], t1a_v, sem),
        pltpu.async_copy(t1_h.at[pl.ds(rbase + HROWS, RCHUNK)], t1b_v, sem),
        pltpu.async_copy(w_hbm.at[pl.ds(ebase, CHUNK)], w_v, sem),
        pltpu.async_copy(d_hbm.at[pl.ds(ebase, CHUNK)], d_v, sem),
    ]

    zf = jnp.zeros((L,), jnp.float32)

    @plsc.parallel_loop(0, L * NDAYS, L, unroll=8)
    def _zero_acc(j):
        acc[pl.ds(j, L)] = zf

    @plsc.parallel_loop(0, NDAYS, L, unroll=4)
    def _zero_pres(j):
        pres[pl.ds(j, L)] = zf

    for c in copies:
        c.wait()

    iota = lax.iota(jnp.int32, L)
    ones = jnp.full((L,), 1.0, jnp.float32)
    lane_base = iota * NDAYS

    def one_step(k):
        e0a = jnp.exp(jnp.minimum(-12.0 * x0a_v[pl.ds(k, L)], ECLAMP)) + 1.0
        e0b = jnp.exp(jnp.minimum(-12.0 * x0b_v[pl.ds(k, L)], ECLAMP)) + 1.0
        e1a = jnp.exp(jnp.minimum(-12.0 * x1a_v[pl.ds(k, L)], ECLAMP)) + 1.0
        e1b = jnp.exp(jnp.minimum(-12.0 * x1b_v[pl.ds(k, L)], ECLAMP)) + 1.0
        na = t0a_v[pl.ds(k, L)] * e0b + t0b_v[pl.ds(k, L)] * e0a
        nb = t1a_v[pl.ds(k, L)] * e1b + t1b_v[pl.ds(k, L)] * e1a
        da = e0a * e0b
        db = e1a * e1b
        r = 1.0 / (da * db)
        eidx = (k + iota) * 2
        oidx = eidx + 1
        we = plsc.load_gather(w_v, [eidx])
        wo = plsc.load_gather(w_v, [oidx])
        de = plsc.load_gather(d_v, [eidx])
        do = plsc.load_gather(d_v, [oidx])
        plsc.addupdate_scatter(acc, [lane_base + de], we * (na * db * r))
        plsc.addupdate_scatter(acc, [lane_base + do], wo * (nb * da * r))
        plsc.store_scatter(pres, [de], ones)
        plsc.store_scatter(pres, [do], ones)

    @plsc.parallel_loop(0, STEPS * L, L, unroll=UNROLL)
    def _main(k):
        one_step(k)

    @plsc.parallel_loop(0, NDAYS, L, unroll=2)
    def _fold(b):
        parts = [acc[pl.ds(lane * NDAYS + b, L)] for lane in range(L)]
        while len(parts) > 1:
            parts = [parts[i] + parts[i + 1] for i in range(0, len(parts), 2)]
        pilocal[pl.ds(b, L)] = parts[0]

    pltpu.sync_copy(pilocal, pi_out.at[wid])
    pltpu.sync_copy(pres, pres_out.at[wid])


_sc_call = functools.partial(
    pl.kernel,
    out_type=(
        jax.ShapeDtypeStruct((NW, NDAYS), jnp.float32),
        jax.ShapeDtypeStruct((NW, NDAYS), jnp.float32),
    ),
    mesh=plsc.VectorSubcoreMesh(core_axis_name="c", subcore_axis_name="s"),
    compiler_params=pltpu.CompilerParams(
        needs_layout_passes=False, disable_bounds_checks=True,
        disable_semaphore_checks=True),
    scratch_types=[
        pltpu.VMEM((RCHUNK,), jnp.float32),
        pltpu.VMEM((RCHUNK,), jnp.float32),
        pltpu.VMEM((RCHUNK,), jnp.float32),
        pltpu.VMEM((RCHUNK,), jnp.float32),
        pltpu.VMEM((RCHUNK,), jnp.float32),
        pltpu.VMEM((RCHUNK,), jnp.float32),
        pltpu.VMEM((RCHUNK,), jnp.float32),
        pltpu.VMEM((RCHUNK,), jnp.float32),
        pltpu.VMEM((CHUNK,), jnp.float32),
        pltpu.VMEM((CHUNK,), jnp.int32),
        pltpu.VMEM((L * NDAYS,), jnp.float32),
        pltpu.VMEM((NDAYS,), jnp.float32),
        pltpu.VMEM((NDAYS,), jnp.float32),
        pltpu.SemaphoreType.DMA,
    ],
)(_sc_body)


def _fin_body(pi_ref, pres_ref, o_ref):
    pi = jnp.sum(pi_ref[...], axis=0, keepdims=True)
    pres = jnp.sum(pres_ref[...], axis=0, keepdims=True)
    sum_pi = jnp.sum(pi)
    sum_pi2 = jnp.sum(pi * pi)
    ndays = jnp.sum(jnp.where(pres > 0.0, 1.0, 0.0))
    o_ref[0, 0] = -sum_pi * jnp.maximum(sum_pi, 0.0) / sum_pi2 / ndays


_finisher = pl.pallas_call(
    _fin_body,
    out_shape=jax.ShapeDtypeStruct((1, 1), jnp.float32),
    out_specs=pl.BlockSpec(memory_space=pltpu.SMEM),
)


def kernel(inputs, targets, weights, date):
    pi_part, pres_part = _sc_call(
        inputs[:, 0], inputs[:, 1], targets[:, 0], targets[:, 1],
        weights, date)
    return _finisher(pi_part, pres_part).reshape(())

# --- scband reference (transcript-rebuilt; emitter-appended) ---
"""Pipeline reference for scband-utility-loss-73589969650309 (READ-ONLY COPY).

The authoritative reference and input builder live on the scoring server;
editing this copy changes nothing except your own understanding.
"""

import jax, jax.numpy as jnp
import numpy as np

ALPHA = 1.0
SCALING = 12.0
RESP_INDEX = (0, 1)
N = 131072
NDAYS_MAX = 250


def setup_inputs(seed: int = 0) -> dict:
    key = jax.random.key(seed)
    k1, k2, k3, k4 = jax.random.split(key, 4)
    inputs = jax.random.normal(k1, (N, 5), dtype=jnp.float32)
    targets = jax.random.normal(k2, (N, 5), dtype=jnp.float32)
    weights = jax.random.uniform(k3, (N,), dtype=jnp.float32)
    date = jnp.sort(jax.random.randint(k4, (N,), 0, NDAYS_MAX, dtype=jnp.int32))
    return {"inputs": inputs, "targets": targets, "weights": weights, "date": date}


def reference(inputs, targets, weights, date):
    # resp_index selection (len < 5)
    ridx = jnp.array(RESP_INDEX)
    i = inputs[..., ridx]
    t = targets[..., ridx]
    i = jax.nn.sigmoid(SCALING * i)
    n_targets = i.shape[-1]
    # torch: weights.repeat((n_targets, 1)) on 1-D tensor -> [n_targets, N]
    w = jnp.tile(weights, (n_targets, 1))
    d = jnp.tile(date, (n_targets, 1))
    # row-major flatten, identical to torch .view(-1)
    i = i.reshape(-1)
    t = t.reshape(-1)
    w = w.reshape(-1)
    d = d.reshape(-1)
    counts = jax.ops.segment_sum(jnp.ones_like(d), d, num_segments=NDAYS_MAX)
    ndays = (counts > 0).sum()
    vals = w * t * i
    Pi = jax.ops.segment_sum(vals, d, num_segments=NDAYS_MAX)
    sumPi = Pi.sum()
    # normalize == 'mean'
    loss = -ALPHA * sumPi * jnp.clip(sumPi, 0.0) / jnp.square(Pi).sum() / ndays
    return loss

if __name__ == "__main__":
    import jax
    _d = setup_inputs()
    print(jax.jit(kernel)(*tuple(_d.values())))

</pallas_src>

<mosaic_0001>
#map = affine_map<(d0, d1) -> (0)>
#map1 = affine_map<(d0, d1) -> (0, 0)>
module attributes {stable_mosaic.version = 14 : i64} {
  func.func @_sc_body(%arg0: i32, %arg1: i32, %arg2: memref<131072xf32, #tpu.memory_space<hbm>>, %arg3: memref<131072xf32, #tpu.memory_space<hbm>>, %arg4: memref<131072xf32, #tpu.memory_space<hbm>>, %arg5: memref<131072xf32, #tpu.memory_space<hbm>>, %arg6: memref<131072xf32, #tpu.memory_space<hbm>>, %arg7: memref<131072xi32, #tpu.memory_space<hbm>>, %arg8: memref<32x256xf32, #tpu.memory_space<hbm>>, %arg9: memref<32x256xf32, #tpu.memory_space<hbm>>, %arg10: memref<2048xf32, #tpu.memory_space<vmem>>, %arg11: memref<2048xf32, #tpu.memory_space<vmem>>, %arg12: memref<2048xf32, #tpu.memory_space<vmem>>, %arg13: memref<2048xf32, #tpu.memory_space<vmem>>, %arg14: memref<2048xf32, #tpu.memory_space<vmem>>, %arg15: memref<2048xf32, #tpu.memory_space<vmem>>, %arg16: memref<2048xf32, #tpu.memory_space<vmem>>, %arg17: memref<2048xf32, #tpu.memory_space<vmem>>, %arg18: memref<4096xf32, #tpu.memory_space<vmem>>, %arg19: memref<4096xi32, #tpu.memory_space<vmem>>, %arg20: memref<4096xf32, #tpu.memory_space<vmem>>, %arg21: memref<256xf32, #tpu.memory_space<vmem>>, %arg22: memref<256xf32, #tpu.memory_space<vmem>>, %arg23: memref<!tpu.dma_semaphore, #tpu.memory_space<semaphore_mem>>) attributes {dimension_semantics = [#tpu.dimension_semantics<core_parallel>, #tpu.dimension_semantics<subcore_parallel>], iteration_bounds = array<i64: 2, 16>, scalar_prefetch = 0 : i64, scratch_operands = 14 : i64, tpu.core_type = #tpu.core_type<sc_vector_subcore>, window_params = [{transform_indices = #map}, {transform_indices = #map}, {transform_indices = #map}, {transform_indices = #map}, {transform_indices = #map}, {transform_indices = #map}, {transform_indices = #map1}, {transform_indices = #map1}]} {
    %mul3A = arith.constant 2 : i32
    %mul3A_0 = arith.muli %arg1, %mul3A : i32
    %add3A = arith.addi %mul3A_0, %arg0 : i32
    %mul3A_1 = arith.constant 2048 : i32
    %mul3A_2 = arith.muli %add3A, %mul3A_1 : i32
    %mul3A_3 = arith.constant 4096 : i32
    %mul3A_4 = arith.muli %add3A, %mul3A_3 : i32
    %dma_start3A = tpu.memref_slice %arg2[%mul3A_2] : memref<131072xf32, #tpu.memory_space<hbm>> -> memref<2048xf32, #tpu.memory_space<hbm>>
    %dma_start3A_5 = tpu.memref_slice %arg2[%mul3A_2] : memref<131072xf32, #tpu.memory_space<hbm>> -> memref<2048xf32, #tpu.memory_space<hbm>>
    tpu.enqueue_dma source(%dma_start3A_5 : memref<2048xf32, #tpu.memory_space<hbm>>) target(%arg10 : memref<2048xf32, #tpu.memory_space<vmem>>) target_semaphore(%arg23 : memref<!tpu.dma_semaphore, #tpu.memory_space<semaphore_mem>>)
    %add3A_6 = arith.constant 65536 : i32
    %add3A_7 = arith.addi %mul3A_2, %add3A_6 : i32
    %dma_start3A_8 = tpu.memref_slice %arg2[%add3A_7] : memref<131072xf32, #tpu.memory_space<hbm>> -> memref<2048xf32, #tpu.memory_space<hbm>>
    %dma_start3A_9 = tpu.memref_slice %arg2[%add3A_7] : memref<131072xf32, #tpu.memory_space<hbm>> -> memref<2048xf32, #tpu.memory_space<hbm>>
    tpu.enqueue_dma source(%dma_start3A_9 : memref<2048xf32, #tpu.memory_space<hbm>>) target(%arg11 : memref<2048xf32, #tpu.memory_space<vmem>>) target_semaphore(%arg23 : memref<!tpu.dma_semaphore, #tpu.memory_space<semaphore_mem>>)
    %dma_start3A_10 = tpu.memref_slice %arg3[%mul3A_2] : memref<131072xf32, #tpu.memory_space<hbm>> -> memref<2048xf32, #tpu.memory_space<hbm>>
    %dma_start3A_11 = tpu.memref_slice %arg3[%mul3A_2] : memref<131072xf32, #tpu.memory_space<hbm>> -> memref<2048xf32, #tpu.memory_space<hbm>>
    tpu.enqueue_dma source(%dma_start3A_11 : memref<2048xf32, #tpu.memory_space<hbm>>) target(%arg12 : memref<2048xf32, #tpu.memory_space<vmem>>) target_semaphore(%arg23 : memref<!tpu.dma_semaphore, #tpu.memory_space<semaphore_mem>>)
    %add3A_12 = arith.constant 65536 : i32
    %add3A_13 = arith.addi %mul3A_2, %add3A_12 : i32
    %dma_start3A_14 = tpu.memref_slice %arg3[%add3A_13] : memref<131072xf32, #tpu.memory_space<hbm>> -> memref<2048xf32, #tpu.memory_space<hbm>>
    %dma_start3A_15 = tpu.memref_slice %arg3[%add3A_13] : memref<131072xf32, #tpu.memory_space<hbm>> -> memref<2048xf32, #tpu.memory_space<hbm>>
    tpu.enqueue_dma source(%dma_start3A_15 : memref<2048xf32, #tpu.memory_space<hbm>>) target(%arg13 : memref<2048xf32, #tpu.memory_space<vmem>>) target_semaphore(%arg23 : memref<!tpu.dma_semaphore, #tpu.memory_space<semaphore_mem>>)
    %dma_start3A_16 = tpu.memref_slice %arg4[%mul3A_2] : memref<131072xf32, #tpu.memory_space<hbm>> -> memref<2048xf32, #tpu.memory_space<hbm>>
    %dma_start3A_17 = tpu.memref_slice %arg4[%mul3A_2] : memref<131072xf32, #tpu.memory_space<hbm>> -> memref<2048xf32, #tpu.memory_space<hbm>>
    tpu.enqueue_dma source(%dma_start3A_17 : memref<2048xf32, #tpu.memory_space<hbm>>) target(%arg14 : memref<2048xf32, #tpu.memory_space<vmem>>) target_semaphore(%arg23 : memref<!tpu.dma_semaphore, #tpu.memory_space<semaphore_mem>>)
    %add3A_18 = arith.constant 65536 : i32
    %add3A_19 = arith.addi %mul3A_2, %add3A_18 : i32
    %dma_start3A_20 = tpu.memref_slice %arg4[%add3A_19] : memref<131072xf32, #tpu.memory_space<hbm>> -> memref<2048xf32, #tpu.memory_space<hbm>>
    %dma_start3A_21 = tpu.memref_slice %arg4[%add3A_19] : memref<131072xf32, #tpu.memory_space<hbm>> -> memref<2048xf32, #tpu.memory_space<hbm>>
    tpu.enqueue_dma source(%dma_start3A_21 : memref<2048xf32, #tpu.memory_space<hbm>>) target(%arg15 : memref<2048xf32, #tpu.memory_space<vmem>>) target_semaphore(%arg23 : memref<!tpu.dma_semaphore, #tpu.memory_space<semaphore_mem>>)
    %dma_start3A_22 = tpu.memref_slice %arg5[%mul3A_2] : memref<131072xf32, #tpu.memory_space<hbm>> -> memref<2048xf32, #tpu.memory_space<hbm>>
    %dma_start3A_23 = tpu.memref_slice %arg5[%mul3A_2] : memref<131072xf32, #tpu.memory_space<hbm>> -> memref<2048xf32, #tpu.memory_space<hbm>>
    tpu.enqueue_dma source(%dma_start3A_23 : memref<2048xf32, #tpu.memory_space<hbm>>) target(%arg16 : memref<2048xf32, #tpu.memory_space<vmem>>) target_semaphore(%arg23 : memref<!tpu.dma_semaphore, #tpu.memory_space<semaphore_mem>>)
    %add3A_24 = arith.constant 65536 : i32
    %add3A_25 = arith.addi %mul3A_2, %add3A_24 : i32
    %dma_start3A_26 = tpu.memref_slice %arg5[%add3A_25] : memref<131072xf32, #tpu.memory_space<hbm>> -> memref<2048xf32, #tpu.memory_space<hbm>>
    %dma_start3A_27 = tpu.memref_slice %arg5[%add3A_25] : memref<131072xf32, #tpu.memory_space<hbm>> -> memref<2048xf32, #tpu.memory_space<hbm>>
    tpu.enqueue_dma source(%dma_start3A_27 : memref<2048xf32, #tpu.memory_space<hbm>>) target(%arg17 : memref<2048xf32, #tpu.memory_space<vmem>>) target_semaphore(%arg23 : memref<!tpu.dma_semaphore, #tpu.memory_space<semaphore_mem>>)
    %dma_start3A_28 = tpu.memref_slice %arg6[%mul3A_4] : memref<131072xf32, #tpu.memory_space<hbm>> -> memref<4096xf32, #tpu.memory_space<hbm>>
    %dma_start3A_29 = tpu.memref_slice %arg6[%mul3A_4] : memref<131072xf32, #tpu.memory_space<hbm>> -> memref<4096xf32, #tpu.memory_space<hbm>>
    tpu.enqueue_dma source(%dma_start3A_29 : memref<4096xf32, #tpu.memory_space<hbm>>) target(%arg18 : memref<4096xf32, #tpu.memory_space<vmem>>) target_semaphore(%arg23 : memref<!tpu.dma_semaphore, #tpu.memory_space<semaphore_mem>>)
    %dma_start3A_30 = tpu.memref_slice %arg7[%mul3A_4] : memref<131072xi32, #tpu.memory_space<hbm>> -> memref<4096xi32, #tpu.memory_space<hbm>>
    %dma_start3A_31 = tpu.memref_slice %arg7[%mul3A_4] : memref<131072xi32, #tpu.memory_space<hbm>> -> memref<4096xi32, #tpu.memory_space<hbm>>
    tpu.enqueue_dma source(%dma_start3A_31 : memref<4096xi32, #tpu.memory_space<hbm>>) target(%arg19 : memref<4096xi32, #tpu.memory_space<vmem>>) target_semaphore(%arg23 : memref<!tpu.dma_semaphore, #tpu.memory_space<semaphore_mem>>)
    %broadcast_in_dim3A = arith.constant 0.000000e+00 : f32
    %broadcast_in_dim3A_32 = vector.broadcast %broadcast_in_dim3A : f32 to vector<16xf32>
    %parallel_loop3A = arith.constant 0 : i32
    %parallel_loop3A_33 = arith.constant 4096 : i32
    %parallel_loop3A_34 = arith.constant 16 : i32
    scf.for %parallel_loop3A_68 = %parallel_loop3A to %parallel_loop3A_33 step %parallel_loop3A_34  : i32 {
      %parallel_loop3A_69 = arith.index_cast %parallel_loop3A_68 : i32 to index
      %parallel_loop3A_70 = tpu.vector_load %arg20[%parallel_loop3A_69] {strides = array<i32>} : memref<4096xf32, #tpu.memory_space<vmem>>, vector<16xf32>,
      tpu.vector_store %arg20[%parallel_loop3A_69], %broadcast_in_dim3A_32 {strides = array<i32>} : memref<4096xf32, #tpu.memory_space<vmem>>, vector<16xf32>,
    } {sc.loop_unroll_factor = 8 : i64, sc.parallel_access}
    %parallel_loop3A_35 = arith.constant 0 : i32
    %parallel_loop3A_36 = arith.constant 256 : i32
    %parallel_loop3A_37 = arith.constant 16 : i32
    scf.for %parallel_loop3A_68 = %parallel_loop3A_35 to %parallel_loop3A_36 step %parallel_loop3A_37  : i32 {
      %parallel_loop3A_69 = arith.index_cast %parallel_loop3A_68 : i32 to index
      %parallel_loop3A_70 = tpu.vector_load %arg21[%parallel_loop3A_69] {strides = array<i32>} : memref<256xf32, #tpu.memory_space<vmem>>, vector<16xf32>,
      tpu.vector_store %arg21[%parallel_loop3A_69], %broadcast_in_dim3A_32 {strides = array<i32>} : memref<256xf32, #tpu.memory_space<vmem>>, vector<16xf32>,
    } {sc.loop_unroll_factor = 4 : i64, sc.parallel_access}
    %dma_wait3A = tpu.memref_slice %arg2[%mul3A_2] : memref<131072xf32, #tpu.memory_space<hbm>> -> memref<2048xf32, #tpu.memory_space<hbm>>
    %dma_wait3A_38 = tpu.memref_slice %arg2[%mul3A_2] : memref<131072xf32, #tpu.memory_space<hbm>> -> memref<2048xf32, #tpu.memory_space<hbm>>
    tpu.wait_dma2 semaphore(%arg23 : memref<!tpu.dma_semaphore, #tpu.memory_space<semaphore_mem>>) src(%dma_wait3A_38 : memref<2048xf32, #tpu.memory_space<hbm>>) dst(%arg10 : memref<2048xf32, #tpu.memory_space<vmem>>)
    %dma_wait3A_39 = tpu.memref_slice %arg2[%add3A_7] : memref<131072xf32, #tpu.memory_space<hbm>> -> memref<2048xf32, #tpu.memory_space<hbm>>
    %dma_wait3A_40 = tpu.memref_slice %arg2[%add3A_7] : memref<131072xf32, #tpu.memory_space<hbm>> -> memref<2048xf32, #tpu.memory_space<hbm>>
    tpu.wait_dma2 semaphore(%arg23 : memref<!tpu.dma_semaphore, #tpu.memory_space<semaphore_mem>>) src(%dma_wait3A_40 : memref<2048xf32, #tpu.memory_space<hbm>>) dst(%arg11 : memref<2048xf32, #tpu.memory_space<vmem>>)
    %dma_wait3A_41 = tpu.memref_slice %arg3[%mul3A_2] : memref<131072xf32, #tpu.memory_space<hbm>> -> memref<2048xf32, #tpu.memory_space<hbm>>
    %dma_wait3A_42 = tpu.memref_slice %arg3[%mul3A_2] : memref<131072xf32, #tpu.memory_space<hbm>> -> memref<2048xf32, #tpu.memory_space<hbm>>
    tpu.wait_dma2 semaphore(%arg23 : memref<!tpu.dma_semaphore, #tpu.memory_space<semaphore_mem>>) src(%dma_wait3A_42 : memref<2048xf32, #tpu.memory_space<hbm>>) dst(%arg12 : memref<2048xf32, #tpu.memory_space<vmem>>)
    %dma_wait3A_43 = tpu.memref_slice %arg3[%add3A_13] : memref<131072xf32, #tpu.memory_space<hbm>> -> memref<2048xf32, #tpu.memory_space<hbm>>
    %dma_wait3A_44 = tpu.memref_slice %arg3[%add3A_13] : memref<131072xf32, #tpu.memory_space<hbm>> -> memref<2048xf32, #tpu.memory_space<hbm>>
    tpu.wait_dma2 semaphore(%arg23 : memref<!tpu.dma_semaphore, #tpu.memory_space<semaphore_mem>>) src(%dma_wait3A_44 : memref<2048xf32, #tpu.memory_space<hbm>>) dst(%arg13 : memref<2048xf32, #tpu.memory_space<vmem>>)
    %dma_wait3A_45 = tpu.memref_slice %arg4[%mul3A_2] : memref<131072xf32, #tpu.memory_space<hbm>> -> memref<2048xf32, #tpu.memory_space<hbm>>
    %dma_wait3A_46 = tpu.memref_slice %arg4[%mul3A_2] : memref<131072xf32, #tpu.memory_space<hbm>> -> memref<2048xf32, #tpu.memory_space<hbm>>
    tpu.wait_dma2 semaphore(%arg23 : memref<!tpu.dma_semaphore, #tpu.memory_space<semaphore_mem>>) src(%dma_wait3A_46 : memref<2048xf32, #tpu.memory_space<hbm>>) dst(%arg14 : memref<2048xf32, #tpu.memory_space<vmem>>)
    %dma_wait3A_47 = tpu.memref_slice %arg4[%add3A_19] : memref<131072xf32, #tpu.memory_space<hbm>> -> memref<2048xf32, #tpu.memory_space<hbm>>
    %dma_wait3A_48 = tpu.memref_slice %arg4[%add3A_19] : memref<131072xf32, #tpu.memory_space<hbm>> -> memref<2048xf32, #tpu.memory_space<hbm>>
    tpu.wait_dma2 semaphore(%arg23 : memref<!tpu.dma_semaphore, #tpu.memory_space<semaphore_mem>>) src(%dma_wait3A_48 : memref<2048xf32, #tpu.memory_space<hbm>>) dst(%arg15 : memref<2048xf32, #tpu.memory_space<vmem>>)
    %dma_wait3A_49 = tpu.memref_slice %arg5[%mul3A_2] : memref<131072xf32, #tpu.memory_space<hbm>> -> memref<2048xf32, #tpu.memory_space<hbm>>
    %dma_wait3A_50 = tpu.memref_slice %arg5[%mul3A_2] : memref<131072xf32, #tpu.memory_space<hbm>> -> memref<2048xf32, #tpu.memory_space<hbm>>
    tpu.wait_dma2 semaphore(%arg23 : memref<!tpu.dma_semaphore, #tpu.memory_space<semaphore_mem>>) src(%dma_wait3A_50 : memref<2048xf32, #tpu.memory_space<hbm>>) dst(%arg16 : memref<2048xf32, #tpu.memory_space<vmem>>)
    %dma_wait3A_51 = tpu.memref_slice %arg5[%add3A_25] : memref<131072xf32, #tpu.memory_space<hbm>> -> memref<2048xf32, #tpu.memory_space<hbm>>
    %dma_wait3A_52 = tpu.memref_slice %arg5[%add3A_25] : memref<131072xf32, #tpu.memory_space<hbm>> -> memref<2048xf32, #tpu.memory_space<hbm>>
    tpu.wait_dma2 semaphore(%arg23 : memref<!tpu.dma_semaphore, #tpu.memory_space<semaphore_mem>>) src(%dma_wait3A_52 : memref<2048xf32, #tpu.memory_space<hbm>>) dst(%arg17 : memref<2048xf32, #tpu.memory_space<vmem>>)
    %dma_wait3A_53 = tpu.memref_slice %arg6[%mul3A_4] : memref<131072xf32, #tpu.memory_space<hbm>> -> memref<4096xf32, #tpu.memory_space<hbm>>
    %dma_wait3A_54 = tpu.memref_slice %arg6[%mul3A_4] : memref<131072xf32, #tpu.memory_space<hbm>> -> memref<4096xf32, #tpu.memory_space<hbm>>
    tpu.wait_dma2 semaphore(%arg23 : memref<!tpu.dma_semaphore, #tpu.memory_space<semaphore_mem>>) src(%dma_wait3A_54 : memref<4096xf32, #tpu.memory_space<hbm>>) dst(%arg18 : memref<4096xf32, #tpu.memory_space<vmem>>)
    %dma_wait3A_55 = tpu.memref_slice %arg7[%mul3A_4] : memref<131072xi32, #tpu.memory_space<hbm>> -> memref<4096xi32, #tpu.memory_space<hbm>>
    %dma_wait3A_56 = tpu.memref_slice %arg7[%mul3A_4] : memref<131072xi32, #tpu.memory_space<hbm>> -> memref<4096xi32, #tpu.memory_space<hbm>>
    tpu.wait_dma2 semaphore(%arg23 : memref<!tpu.dma_semaphore, #tpu.memory_space<semaphore_mem>>) src(%dma_wait3A_56 : memref<4096xi32, #tpu.memory_space<hbm>>) dst(%arg19 : memref<4096xi32, #tpu.memory_space<vmem>>)
    %iota3A = tpu.iota {dimensions = array<i32: 0>} : vector<16xi32>
    %broadcast_in_dim3A_57 = arith.constant 1.000000e+00 : f32
    %broadcast_in_dim3A_58 = vector.broadcast %broadcast_in_dim3A_57 : f32 to vector<16xf32>
    %mul3A_59 = arith.constant 256 : i32
    %mul3A_60 = vector.broadcast %mul3A_59 : i32 to vector<16xi32>
    %mul3A_61 = arith.muli %iota3A, %mul3A_60 : vector<16xi32>
    %parallel_loop3A_62 = arith.constant 0 : i32
    %parallel_loop3A_63 = arith.constant 2048 : i32
    %parallel_loop3A_64 = arith.constant 16 : i32
    scf.for %parallel_loop3A_68 = %parallel_loop3A_62 to %parallel_loop3A_63 step %parallel_loop3A_64  : i32 {
      %parallel_loop3A_69 = arith.index_cast %parallel_loop3A_68 : i32 to index
      %parallel_loop3A_70 = tpu.vector_load %arg10[%parallel_loop3A_69] {strides = array<i32>} : memref<2048xf32, #tpu.memory_space<vmem>>, vector<16xf32>,
      %parallel_loop3A_71 = arith.constant -1.200000e+01 : f32
      %parallel_loop3A_72 = vector.broadcast %parallel_loop3A_71 : f32 to vector<16xf32>
      %parallel_loop3A_73 = arith.mulf %parallel_loop3A_72, %parallel_loop3A_70 : vector<16xf32>
      %parallel_loop3A_74 = arith.constant 2.100000e+01 : f32
      %parallel_loop3A_75 = vector.broadcast %parallel_loop3A_74 : f32 to vector<16xf32>
      %parallel_loop3A_76 = arith.minimumf %parallel_loop3A_73, %parallel_loop3A_75 : vector<16xf32>
      %parallel_loop3A_77 = math.exp %parallel_loop3A_76 : vector<16xf32>
      %parallel_loop3A_78 = arith.constant 1.000000e+00 : f32
      %parallel_loop3A_79 = vector.broadcast %parallel_loop3A_78 : f32 to vector<16xf32>
      %parallel_loop3A_80 = arith.addf %parallel_loop3A_77, %parallel_loop3A_79 : vector<16xf32>
      %parallel_loop3A_81 = arith.index_cast %parallel_loop3A_68 : i32 to index
      %parallel_loop3A_82 = tpu.vector_load %arg11[%parallel_loop3A_81] {strides = array<i32>} : memref<2048xf32, #tpu.memory_space<vmem>>, vector<16xf32>,
      %parallel_loop3A_83 = arith.constant -1.200000e+01 : f32
      %parallel_loop3A_84 = vector.broadcast %parallel_loop3A_83 : f32 to vector<16xf32>
      %parallel_loop3A_85 = arith.mulf %parallel_loop3A_84, %parallel_loop3A_82 : vector<16xf32>
      %parallel_loop3A_86 = arith.constant 2.100000e+01 : f32
      %parallel_loop3A_87 = vector.broadcast %parallel_loop3A_86 : f32 to vector<16xf32>
      %parallel_loop3A_88 = arith.minimumf %parallel_loop3A_85, %parallel_loop3A_87 : vector<16xf32>
      %parallel_loop3A_89 = math.exp %parallel_loop3A_88 : vector<16xf32>
      %parallel_loop3A_90 = arith.constant 1.000000e+00 : f32
      %parallel_loop3A_91 = vector.broadcast %parallel_loop3A_90 : f32 to vector<16xf32>
      %parallel_loop3A_92 = arith.addf %parallel_loop3A_89, %parallel_loop3A_91 : vector<16xf32>
      %parallel_loop3A_93 = arith.index_cast %parallel_loop3A_68 : i32 to index
      %parallel_loop3A_94 = tpu.vector_load %arg12[%parallel_loop3A_93] {strides = array<i32>} : memref<2048xf32, #tpu.memory_space<vmem>>, vector<16xf32>,
      %parallel_loop3A_95 = arith.constant -1.200000e+01 : f32
      %parallel_loop3A_96 = vector.broadcast %parallel_loop3A_95 : f32 to vector<16xf32>
      %parallel_loop3A_97 = arith.mulf %parallel_loop3A_96, %parallel_loop3A_94 : vector<16xf32>
      %parallel_loop3A_98 = arith.constant 2.100000e+01 : f32
      %parallel_loop3A_99 = vector.broadcast %parallel_loop3A_98 : f32 to vector<16xf32>
      %parallel_loop3A_100 = arith.minimumf %parallel_loop3A_97, %parallel_loop3A_99 : vector<16xf32>
      %parallel_loop3A_101 = math.exp %parallel_loop3A_100 : vector<16xf32>
      %parallel_loop3A_102 = arith.constant 1.000000e+00 : f32
      %parallel_loop3A_103 = vector.broadcast %parallel_loop3A_102 : f32 to vector<16xf32>
      %parallel_loop3A_104 = arith.addf %parallel_loop3A_101, %parallel_loop3A_103 : vector<16xf32>
      %parallel_loop3A_105 = arith.index_cast %parallel_loop3A_68 : i32 to index
      %parallel_loop3A_106 = tpu.vector_load %arg13[%parallel_loop3A_105] {strides = array<i32>} : memref<2048xf32, #tpu.memory_space<vmem>>, vector<16xf32>,
      %parallel_loop3A_107 = arith.constant -1.200000e+01 : f32
      %parallel_loop3A_108 = vector.broadcast %parallel_loop3A_107 : f32 to vector<16xf32>
      %parallel_loop3A_109 = arith.mulf %parallel_loop3A_108, %parallel_loop3A_106 : vector<16xf32>
      %parallel_loop3A_110 = arith.constant 2.100000e+01 : f32
      %parallel_loop3A_111 = vector.broadcast %parallel_loop3A_110 : f32 to vector<16xf32>
      %parallel_loop3A_112 = arith.minimumf %parallel_loop3A_109, %parallel_loop3A_111 : vector<16xf32>
      %parallel_loop3A_113 = math.exp %parallel_loop3A_112 : vector<16xf32>
      %parallel_loop3A_114 = arith.constant 1.000000e+00 : f32
      %parallel_loop3A_115 = vector.broadcast %parallel_loop3A_114 : f32 to vector<16xf32>
      %parallel_loop3A_116 = arith.addf %parallel_loop3A_113, %parallel_loop3A_115 : vector<16xf32>
      %parallel_loop3A_117 = arith.index_cast %parallel_loop3A_68 : i32 to index
      %parallel_loop3A_118 = tpu.vector_load %arg14[%parallel_loop3A_117] {strides = array<i32>} : memref<2048xf32, #tpu.memory_space<vmem>>, vector<16xf32>,
      %parallel_loop3A_119 = arith.mulf %parallel_loop3A_118, %parallel_loop3A_92 : vector<16xf32>
      %parallel_loop3A_120 = arith.index_cast %parallel_loop3A_68 : i32 to index
      %parallel_loop3A_121 = tpu.vector_load %arg15[%parallel_loop3A_120] {strides = array<i32>} : memref<2048xf32, #tpu.memory_space<vmem>>, vector<16xf32>,
      %parallel_loop3A_122 = arith.mulf %parallel_loop3A_121, %parallel_loop3A_80 : vector<16xf32>
      %parallel_loop3A_123 = arith.addf %parallel_loop3A_119, %parallel_loop3A_122 : vector<16xf32>
      %parallel_loop3A_124 = arith.index_cast %parallel_loop3A_68 : i32 to index
      %parallel_loop3A_125 = tpu.vector_load %arg16[%parallel_loop3A_124] {strides = array<i32>} : memref<2048xf32, #tpu.memory_space<vmem>>, vector<16xf32>,
      %parallel_loop3A_126 = arith.mulf %parallel_loop3A_125, %parallel_loop3A_116 : vector<16xf32>
      %parallel_loop3A_127 = arith.index_cast %parallel_loop3A_68 : i32 to index
      %parallel_loop3A_128 = tpu.vector_load %arg17[%parallel_loop3A_127] {strides = array<i32>} : memref<2048xf32, #tpu.memory_space<vmem>>, vector<16xf32>,
      %parallel_loop3A_129 = arith.mulf %parallel_loop3A_128, %parallel_loop3A_104 : vector<16xf32>
      %parallel_loop3A_130 = arith.addf %parallel_loop3A_126, %parallel_loop3A_129 : vector<16xf32>
      %parallel_loop3A_131 = arith.mulf %parallel_loop3A_80, %parallel_loop3A_92 : vector<16xf32>
      %parallel_loop3A_132 = arith.mulf %parallel_loop3A_104, %parallel_loop3A_116 : vector<16xf32>
      %parallel_loop3A_133 = arith.mulf %parallel_loop3A_131, %parallel_loop3A_132 : vector<16xf32>
      %parallel_loop3A_134 = arith.constant 1.000000e+00 : f32
      %parallel_loop3A_135 = vector.broadcast %parallel_loop3A_134 : f32 to vector<16xf32>
      %parallel_loop3A_136 = arith.divf %parallel_loop3A_135, %parallel_loop3A_133 : vector<16xf32>
      %parallel_loop3A_137 = vector.broadcast %parallel_loop3A_68 : i32 to vector<16xi32>
      %parallel_loop3A_138 = arith.addi %parallel_loop3A_137, %iota3A : vector<16xi32>
      %parallel_loop3A_139 = arith.constant 2 : i32
      %parallel_loop3A_140 = vector.broadcast %parallel_loop3A_139 : i32 to vector<16xi32>
      %parallel_loop3A_141 = arith.muli %parallel_loop3A_138, %parallel_loop3A_140 : vector<16xi32>
      %parallel_loop3A_142 = arith.constant 1 : i32
      %parallel_loop3A_143 = vector.broadcast %parallel_loop3A_142 : i32 to vector<16xi32>
      %parallel_loop3A_144 = arith.addi %parallel_loop3A_141, %parallel_loop3A_143 : vector<16xi32>
      %parallel_loop3A_145 = tpu.vector_load_idx %arg18[%parallel_loop3A_141] : memref<4096xf32, #tpu.memory_space<vmem>>[vector<16xi32>], vector<16xf32>,
      %parallel_loop3A_146 = tpu.vector_load_idx %arg18[%parallel_loop3A_144] : memref<4096xf32, #tpu.memory_space<vmem>>[vector<16xi32>], vector<16xf32>,
      %parallel_loop3A_147 = tpu.vector_load_idx %arg19[%parallel_loop3A_141] : memref<4096xi32, #tpu.memory_space<vmem>>[vector<16xi32>], vector<16xi32>,
      %parallel_loop3A_148 = tpu.vector_load_idx %arg19[%parallel_loop3A_144] : memref<4096xi32, #tpu.memory_space<vmem>>[vector<16xi32>], vector<16xi32>,
      %parallel_loop3A_149 = arith.addi %mul3A_61, %parallel_loop3A_147 : vector<16xi32>
      %parallel_loop3A_150 = arith.mulf %parallel_loop3A_123, %parallel_loop3A_132 : vector<16xf32>
      %parallel_loop3A_151 = arith.mulf %parallel_loop3A_150, %parallel_loop3A_136 : vector<16xf32>
      %parallel_loop3A_152 = arith.mulf %parallel_loop3A_145, %parallel_loop3A_151 : vector<16xf32>
      tpu.vector_store_idx %arg20[%parallel_loop3A_149], %parallel_loop3A_152 {add = true} : memref<4096xf32, #tpu.memory_space<vmem>>[vector<16xi32>], vector<16xf32>,
      %parallel_loop3A_153 = arith.addi %mul3A_61, %parallel_loop3A_148 : vector<16xi32>
      %parallel_loop3A_154 = arith.mulf %parallel_loop3A_130, %parallel_loop3A_131 : vector<16xf32>
      %parallel_loop3A_155 = arith.mulf %parallel_loop3A_154, %parallel_loop3A_136 : vector<16xf32>
      %parallel_loop3A_156 = arith.mulf %parallel_loop3A_146, %parallel_loop3A_155 : vector<16xf32>
      tpu.vector_store_idx %arg20[%parallel_loop3A_153], %parallel_loop3A_156 {add = true} : memref<4096xf32, #tpu.memory_space<vmem>>[vector<16xi32>], vector<16xf32>,
      tpu.vector_store_idx %arg21[%parallel_loop3A_147], %broadcast_in_dim3A_58 : memref<256xf32, #tpu.memory_space<vmem>>[vector<16xi32>], vector<16xf32>,
      tpu.vector_store_idx %arg21[%parallel_loop3A_148], %broadcast_in_dim3A_58 : memref<256xf32, #tpu.memory_space<vmem>>[vector<16xi32>], vector<16xf32>,
    } {sc.loop_unroll_factor = 4 : i64, sc.parallel_access}
    %parallel_loop3A_65 = arith.constant 0 : i32
    %parallel_loop3A_66 = arith.constant 256 : i32
    %parallel_loop3A_67 = arith.constant 16 : i32
    scf.for %parallel_loop3A_68 = %parallel_loop3A_65 to %parallel_loop3A_66 step %parallel_loop3A_67  : i32 {
      %parallel_loop3A_69 = arith.constant 0 : i32
      %parallel_loop3A_70 = arith.addi %parallel_loop3A_69, %parallel_loop3A_68 : i32
      %parallel_loop3A_71 = arith.index_cast %parallel_loop3A_70 : i32 to index
      %parallel_loop3A_72 = tpu.vector_load %arg20[%parallel_loop3A_71] {strides = array<i32>} : memref<4096xf32, #tpu.memory_space<vmem>>, vector<16xf32>,
      %parallel_loop3A_73 = arith.constant 256 : i32
      %parallel_loop3A_74 = arith.addi %parallel_loop3A_73, %parallel_loop3A_68 : i32
      %parallel_loop3A_75 = arith.index_cast %parallel_loop3A_74 : i32 to index
      %parallel_loop3A_76 = tpu.vector_load %arg20[%parallel_loop3A_75] {strides = array<i32>} : memref<4096xf32, #tpu.memory_space<vmem>>, vector<16xf32>,
      %parallel_loop3A_77 = arith.constant 512 : i32
      %parallel_loop3A_78 = arith.addi %parallel_loop3A_77, %parallel_loop3A_68 : i32
      %parallel_loop3A_79 = arith.index_cast %parallel_loop3A_78 : i32 to index
      %parallel_loop3A_80 = tpu.vector_load %arg20[%parallel_loop3A_79] {strides = array<i32>} : memref<4096xf32, #tpu.memory_space<vmem>>, vector<16xf32>,
      %parallel_loop3A_81 = arith.constant 768 : i32
      %parallel_loop3A_82 = arith.addi %parallel_loop3A_81, %parallel_loop3A_68 : i32
      %parallel_loop3A_83 = arith.index_cast %parallel_loop3A_82 : i32 to index
      %parallel_loop3A_84 = tpu.vector_load %arg20[%parallel_loop3A_83] {strides = array<i32>} : memref<4096xf32, #tpu.memory_space<vmem>>, vector<16xf32>,
      %parallel_loop3A_85 = arith.constant 1024 : i32
      %parallel_loop3A_86 = arith.addi %parallel_loop3A_85, %parallel_loop3A_68 : i32
      %parallel_loop3A_87 = arith.index_cast %parallel_loop3A_86 : i32 to index
      %parallel_loop3A_88 = tpu.vector_load %arg20[%parallel_loop3A_87] {strides = array<i32>} : memref<4096xf32, #tpu.memory_space<vmem>>, vector<16xf32>,
      %parallel_loop3A_89 = arith.constant 1280 : i32
      %parallel_loop3A_90 = arith.addi %parallel_loop3A_89, %parallel_loop3A_68 : i32
      %parallel_loop3A_91 = arith.index_cast %parallel_loop3A_90 : i32 to index
      %parallel_loop3A_92 = tpu.vector_load %arg20[%parallel_loop3A_91] {strides = array<i32>} : memref<4096xf32, #tpu.memory_space<vmem>>, vector<16xf32>,
      %parallel_loop3A_93 = arith.constant 1536 : i32
      %parallel_loop3A_94 = arith.addi %parallel_loop3A_93, %parallel_loop3A_68 : i32
      %parallel_loop3A_95 = arith.index_cast %parallel_loop3A_94 : i32 to index
      %parallel_loop3A_96 = tpu.vector_load %arg20[%parallel_loop3A_95] {strides = array<i32>} : memref<4096xf32, #tpu.memory_space<vmem>>, vector<16xf32>,
      %parallel_loop3A_97 = arith.constant 1792 : i32
      %parallel_loop3A_98 = arith.addi %parallel_loop3A_97, %parallel_loop3A_68 : i32
      %parallel_loop3A_99 = arith.index_cast %parallel_loop3A_98 : i32 to index
      %parallel_loop3A_100 = tpu.vector_load %arg20[%parallel_loop3A_99] {strides = array<i32>} : memref<4096xf32, #tpu.memory_space<vmem>>, vector<16xf32>,
      %parallel_loop3A_101 = arith.constant 2048 : i32
      %parallel_loop3A_102 = arith.addi %parallel_loop3A_101, %parallel_loop3A_68 : i32
      %parallel_loop3A_103 = arith.index_cast %parallel_loop3A_102 : i32 to index
      %parallel_loop3A_104 = tpu.vector_load %arg20[%parallel_loop3A_103] {strides = array<i32>} : memref<4096xf32, #tpu.memory_space<vmem>>, vector<16xf32>,
      %parallel_loop3A_105 = arith.constant 2304 : i32
      %parallel_loop3A_106 = arith.addi %parallel_loop3A_105, %parallel_loop3A_68 : i32
      %parallel_loop3A_107 = arith.index_cast %parallel_loop3A_106 : i32 to index
      %parallel_loop3A_108 = tpu.vector_load %arg20[%parallel_loop3A_107] {strides = array<i32>} : memref<4096xf32, #tpu.memory_space<vmem>>, vector<16xf32>,
      %parallel_loop3A_109 = arith.constant 2560 : i32
      %parallel_loop3A_110 = arith.addi %parallel_loop3A_109, %parallel_loop3A_68 : i32
      %parallel_loop3A_111 = arith.index_cast %parallel_loop3A_110 : i32 to index
      %parallel_loop3A_112 = tpu.vector_load %arg20[%parallel_loop3A_111] {strides = array<i32>} : memref<4096xf32, #tpu.memory_space<vmem>>, vector<16xf32>,
      %parallel_loop3A_113 = arith.constant 2816 : i32
      %parallel_loop3A_114 = arith.addi %parallel_loop3A_113, %parallel_loop3A_68 : i32
      %parallel_loop3A_115 = arith.index_cast %parallel_loop3A_114 : i32 to index
      %parallel_loop3A_116 = tpu.vector_load %arg20[%parallel_loop3A_115] {strides = array<i32>} : memref<4096xf32, #tpu.memory_space<vmem>>, vector<16xf32>,
      %parallel_loop3A_117 = arith.constant 3072 : i32
      %parallel_loop3A_118 = arith.addi %parallel_loop3A_117, %parallel_loop3A_68 : i32
      %parallel_loop3A_119 = arith.index_cast %parallel_loop3A_118 : i32 to index
      %parallel_loop3A_120 = tpu.vector_load %arg20[%parallel_loop3A_119] {strides = array<i32>} : memref<4096xf32, #tpu.memory_space<vmem>>, vector<16xf32>,
      %parallel_loop3A_121 = arith.constant 3328 : i32
      %parallel_loop3A_122 = arith.addi %parallel_loop3A_121, %parallel_loop3A_68 : i32
      %parallel_loop3A_123 = arith.index_cast %parallel_loop3A_122 : i32 to index
      %parallel_loop3A_124 = tpu.vector_load %arg20[%parallel_loop3A_123] {strides = array<i32>} : memref<4096xf32, #tpu.memory_space<vmem>>, vector<16xf32>,
      %parallel_loop3A_125 = arith.constant 3584 : i32
      %parallel_loop3A_126 = arith.addi %parallel_loop3A_125, %parallel_loop3A_68 : i32
      %parallel_loop3A_127 = arith.index_cast %parallel_loop3A_126 : i32 to index
      %parallel_loop3A_128 = tpu.vector_load %arg20[%parallel_loop3A_127] {strides = array<i32>} : memref<4096xf32, #tpu.memory_space<vmem>>, vector<16xf32>,
      %parallel_loop3A_129 = arith.constant 3840 : i32
      %parallel_loop3A_130 = arith.addi %parallel_loop3A_129, %parallel_loop3A_68 : i32
      %parallel_loop3A_131 = arith.index_cast %parallel_loop3A_130 : i32 to index
      %parallel_loop3A_132 = tpu.vector_load %arg20[%parallel_loop3A_131] {strides = array<i32>} : memref<4096xf32, #tpu.memory_space<vmem>>, vector<16xf32>,
      %parallel_loop3A_133 = arith.addf %parallel_loop3A_72, %parallel_loop3A_76 : vector<16xf32>
      %parallel_loop3A_134 = arith.addf %parallel_loop3A_80, %parallel_loop3A_84 : vector<16xf32>
      %parallel_loop3A_135 = arith.addf %parallel_loop3A_88, %parallel_loop3A_92 : vector<16xf32>
      %parallel_loop3A_136 = arith.addf %parallel_loop3A_96, %parallel_loop3A_100 : vector<16xf32>
      %parallel_loop3A_137 = arith.addf %parallel_loop3A_104, %parallel_loop3A_108 : vector<16xf32>
      %parallel_loop3A_138 = arith.addf %parallel_loop3A_112, %parallel_loop3A_116 : vector<16xf32>
      %parallel_loop3A_139 = arith.addf %parallel_loop3A_120, %parallel_loop3A_124 : vector<16xf32>
      %parallel_loop3A_140 = arith.addf %parallel_loop3A_128, %parallel_loop3A_132 : vector<16xf32>
      %parallel_loop3A_141 = arith.addf %parallel_loop3A_133, %parallel_loop3A_134 : vector<16xf32>
      %parallel_loop3A_142 = arith.addf %parallel_loop3A_135, %parallel_loop3A_136 : vector<16xf32>
      %parallel_loop3A_143 = arith.addf %parallel_loop3A_137, %parallel_loop3A_138 : vector<16xf32>
      %parallel_loop3A_144 = arith.addf %parallel_loop3A_139, %parallel_loop3A_140 : vector<16xf32>
      %parallel_loop3A_145 = arith.addf %parallel_loop3A_141, %parallel_loop3A_142 : vector<16xf32>
      %parallel_loop3A_146 = arith.addf %parallel_loop3A_143, %parallel_loop3A_144 : vector<16xf32>
      %parallel_loop3A_147 = arith.addf %parallel_loop3A_145, %parallel_loop3A_146 : vector<16xf32>
      %parallel_loop3A_148 = arith.index_cast %parallel_loop3A_68 : i32 to index
      %parallel_loop3A_149 = tpu.vector_load %arg22[%parallel_loop3A_148] {strides = array<i32>} : memref<256xf32, #tpu.memory_space<vmem>>, vector<16xf32>,
      tpu.vector_store %arg22[%parallel_loop3A_148], %parallel_loop3A_147 {strides = array<i32>} : memref<256xf32, #tpu.memory_space<vmem>>, vector<16xf32>,
    } {sc.loop_unroll_factor = 2 : i64, sc.parallel_access}
    "tpu.region"() ({
      %run_scoped3A = tpu.sem_alloc : memref<!tpu.dma_semaphore, #tpu.memory_space<semaphore_mem>>
      %dma_start3A_68 = arith.constant 0 : i32
      %dma_start3A_69 = tpu.memref_slice %arg8[%add3A, %dma_start3A_68] : memref<32x256xf32, #tpu.memory_space<hbm>> -> memref<1x256xf32, #tpu.memory_space<hbm>>
      %dma_start3A_70 = tpu.memref_squeeze %dma_start3A_69 : memref<1x256xf32, #tpu.memory_space<hbm>> -> memref<256xf32, #tpu.memory_space<hbm>>
      %dma_start3A_71 = arith.constant 0 : i32
      %dma_start3A_72 = tpu.memref_slice %arg8[%add3A, %dma_start3A_71] : memref<32x256xf32, #tpu.memory_space<hbm>> -> memref<1x256xf32, #tpu.memory_space<hbm>>
      %dma_start3A_73 = tpu.memref_squeeze %dma_start3A_72 : memref<1x256xf32, #tpu.memory_space<hbm>> -> memref<256xf32, #tpu.memory_space<hbm>>
      tpu.enqueue_dma source(%arg22 : memref<256xf32, #tpu.memory_space<vmem>>) target(%dma_start3A_73 : memref<256xf32, #tpu.memory_space<hbm>>) target_semaphore(%run_scoped3A : memref<!tpu.dma_semaphore, #tpu.memory_space<semaphore_mem>>)
      %dma_wait3A_74 = arith.constant 0 : i32
      %dma_wait3A_75 = tpu.memref_slice %arg8[%add3A, %dma_wait3A_74] : memref<32x256xf32, #tpu.memory_space<hbm>> -> memref<1x256xf32, #tpu.memory_space<hbm>>
      %dma_wait3A_76 = tpu.memref_squeeze %dma_wait3A_75 : memref<1x256xf32, #tpu.memory_space<hbm>> -> memref<256xf32, #tpu.memory_space<hbm>>
      %dma_wait3A_77 = arith.constant 0 : i32
      %dma_wait3A_78 = tpu.memref_slice %arg8[%add3A, %dma_wait3A_77] : memref<32x256xf32, #tpu.memory_space<hbm>> -> memref<1x256xf32, #tpu.memory_space<hbm>>
      %dma_wait3A_79 = tpu.memref_squeeze %dma_wait3A_78 : memref<1x256xf32, #tpu.memory_space<hbm>> -> memref<256xf32, #tpu.memory_space<hbm>>
      tpu.wait_dma2 semaphore(%run_scoped3A : memref<!tpu.dma_semaphore, #tpu.memory_space<semaphore_mem>>) src(%arg22 : memref<256xf32, #tpu.memory_space<vmem>>) dst(%dma_wait3A_79 : memref<256xf32, #tpu.memory_space<hbm>>)
      tpu.yield
    }) : () -> ()
    "tpu.region"() ({
      %run_scoped3A = tpu.sem_alloc : memref<!tpu.dma_semaphore, #tpu.memory_space<semaphore_mem>>
      %dma_start3A_68 = arith.constant 0 : i32
      %dma_start3A_69 = tpu.memref_slice %arg9[%add3A, %dma_start3A_68] : memref<32x256xf32, #tpu.memory_space<hbm>> -> memref<1x256xf32, #tpu.memory_space<hbm>>
      %dma_start3A_70 = tpu.memref_squeeze %dma_start3A_69 : memref<1x256xf32, #tpu.memory_space<hbm>> -> memref<256xf32, #tpu.memory_space<hbm>>
      %dma_start3A_71 = arith.constant 0 : i32
      %dma_start3A_72 = tpu.memref_slice %arg9[%add3A, %dma_start3A_71] : memref<32x256xf32, #tpu.memory_space<hbm>> -> memref<1x256xf32, #tpu.memory_space<hbm>>
      %dma_start3A_73 = tpu.memref_squeeze %dma_start3A_72 : memref<1x256xf32, #tpu.memory_space<hbm>> -> memref<256xf32, #tpu.memory_space<hbm>>
      tpu.enqueue_dma source(%arg21 : memref<256xf32, #tpu.memory_space<vmem>>) target(%dma_start3A_73 : memref<256xf32, #tpu.memory_space<hbm>>) target_semaphore(%run_scoped3A : memref<!tpu.dma_semaphore, #tpu.memory_space<semaphore_mem>>)
      %dma_wait3A_74 = arith.constant 0 : i32
      %dma_wait3A_75 = tpu.memref_slice %arg9[%add3A, %dma_wait3A_74] : memref<32x256xf32, #tpu.memory_space<hbm>> -> memref<1x256xf32, #tpu.memory_space<hbm>>
      %dma_wait3A_76 = tpu.memref_squeeze %dma_wait3A_75 : memref<1x256xf32, #tpu.memory_space<hbm>> -> memref<256xf32, #tpu.memory_space<hbm>>
      %dma_wait3A_77 = arith.constant 0 : i32
      %dma_wait3A_78 = tpu.memref_slice %arg9[%add3A, %dma_wait3A_77] : memref<32x256xf32, #tpu.memory_space<hbm>> -> memref<1x256xf32, #tpu.memory_space<hbm>>
      %dma_wait3A_79 = tpu.memref_squeeze %dma_wait3A_78 : memref<1x256xf32, #tpu.memory_space<hbm>> -> memref<256xf32, #tpu.memory_space<hbm>>
      tpu.wait_dma2 semaphore(%run_scoped3A : memref<!tpu.dma_semaphore, #tpu.memory_space<semaphore_mem>>) src(%arg21 : memref<256xf32, #tpu.memory_space<vmem>>) dst(%dma_wait3A_79 : memref<256xf32, #tpu.memory_space<hbm>>)
      tpu.yield
    }) : () -> ()
    return
  }
}

module attributes {stable_mosaic.version = 14 : i64} {
  func.func @_fin_body(%arg0: memref<32x256xf32, #tpu.memory_space<vmem>>, %arg1: memref<32x256xf32, #tpu.memory_space<vmem>>, %arg2: memref<1x1xf32, #tpu.memory_space<smem>>) attributes {dimension_semantics = [], scalar_prefetch = 0 : i64, scratch_operands = 0 : i64, tpu.core_type = #tpu.core_type<tc>} {
    %get3A = arith.constant 0 : index
    %get3A_0 = arith.constant 0 : index
    %get3A_1 = vector.load %arg0[%get3A, %get3A_0] : memref<32x256xf32, #tpu.memory_space<vmem>>, vector<32x256xf32>
    %reduce_sum3A = arith.constant dense<0.000000e+00> : vector<256xf32>
    %reduce_sum3A_2 = vector.multi_reduction <add>, %get3A_1, %reduce_sum3A [0] : vector<32x256xf32> to vector<256xf32>
    %broadcast_in_dim3A = vector.shape_cast %reduce_sum3A_2 : vector<256xf32> to vector<1x256xf32>
    %get3A_3 = arith.constant 0 : index
    %get3A_4 = arith.constant 0 : index
    %get3A_5 = vector.load %arg1[%get3A_3, %get3A_4] : memref<32x256xf32, #tpu.memory_space<vmem>>, vector<32x256xf32>
    %reduce_sum3A_6 = arith.constant dense<0.000000e+00> : vector<256xf32>
    %reduce_sum3A_7 = vector.multi_reduction <add>, %get3A_5, %reduce_sum3A_6 [0] : vector<32x256xf32> to vector<256xf32>
    %broadcast_in_dim3A_8 = vector.shape_cast %reduce_sum3A_7 : vector<256xf32> to vector<1x256xf32>
    %reduce_sum3A_9 = vector.shape_cast %broadcast_in_dim3A : vector<1x256xf32> to vector<1x1x256xf32>
    %reduce_sum3A_10 = arith.constant dense<0.000000e+00> : vector<1xf32>
    %reduce_sum3A_11 = vector.multi_reduction <add>, %reduce_sum3A_9, %reduce_sum3A_10 [1, 2] : vector<1x1x256xf32> to vector<1xf32>
    %reduce_sum3A_12 = vector.shape_cast %reduce_sum3A_11 : vector<1xf32> to vector<1x1x1xf32>
    %reduce_sum3A_13 = vector.extract %reduce_sum3A_12[0, 0, 0] : f32 from vector<1x1x1xf32>
    %mul3A = arith.mulf %broadcast_in_dim3A, %broadcast_in_dim3A : vector<1x256xf32>
    %reduce_sum3A_14 = vector.shape_cast %mul3A : vector<1x256xf32> to vector<1x1x256xf32>
    %reduce_sum3A_15 = arith.constant dense<0.000000e+00> : vector<1xf32>
    %reduce_sum3A_16 = vector.multi_reduction <add>, %reduce_sum3A_14, %reduce_sum3A_15 [1, 2] : vector<1x1x256xf32> to vector<1xf32>
    %reduce_sum3A_17 = vector.shape_cast %reduce_sum3A_16 : vector<1xf32> to vector<1x1x1xf32>
    %reduce_sum3A_18 = vector.extract %reduce_sum3A_17[0, 0, 0] : f32 from vector<1x1x1xf32>
    %gt3A = arith.constant 0.000000e+00 : f32
    %gt3A_19 = vector.broadcast %gt3A : f32 to vector<1x256xf32>
    %gt3A_20 = arith.cmpf ogt, %broadcast_in_dim3A_8, %gt3A_19 : vector<1x256xf32>
    %jit3A = arith.constant 1.000000e+00 : f32
    %jit3A_21 = arith.constant 0.000000e+00 : f32
    %broadcast_in_dim3A_22 = vector.broadcast %jit3A : f32 to vector<1x256xf32>
    %broadcast_in_dim3A_23 = vector.broadcast %jit3A_21 : f32 to vector<1x256xf32>
    %select_n3A = arith.select %gt3A_20, %broadcast_in_dim3A_22, %broadcast_in_dim3A_23 : vector<1x256xi1>, vector<1x256xf32>
    %reduce_sum3A_24 = vector.shape_cast %select_n3A : vector<1x256xf32> to vector<1x1x256xf32>
    %reduce_sum3A_25 = arith.constant dense<0.000000e+00> : vector<1xf32>
    %reduce_sum3A_26 = vector.multi_reduction <add>, %reduce_sum3A_24, %reduce_sum3A_25 [1, 2] : vector<1x1x256xf32> to vector<1xf32>
    %reduce_sum3A_27 = vector.shape_cast %reduce_sum3A_26 : vector<1xf32> to vector<1x1x1xf32>
    %reduce_sum3A_28 = vector.extract %reduce_sum3A_27[0, 0, 0] : f32 from vector<1x1x1xf32>
    %neg3A = arith.constant 0.000000e+00 : f32
    %neg3A_29 = arith.subf %neg3A, %reduce_sum3A_13 : f32
    %max3A = arith.constant 0.000000e+00 : f32
    %max3A_30 = arith.maximumf %reduce_sum3A_13, %max3A : f32
    %mul3A_31 = arith.mulf %neg3A_29, %max3A_30 : f32
    %div3A = arith.divf %mul3A_31, %reduce_sum3A_18 : f32
    %div3A_32 = arith.divf %div3A, %reduce_sum3A_28 : f32
    %swap3A = arith.constant 0 : index
    %swap3A_33 = arith.constant 0 : index
    %swap3A_34 = memref.load %arg2[%swap3A, %swap3A_33] : memref<1x1xf32, #tpu.memory_space<smem>>
    memref.store %div3A_32, %arg2[%swap3A, %swap3A_33] : memref<1x1xf32, #tpu.memory_space<smem>>
    return
  }
}

</mosaic_0001>

<sc_bundles>
// kernel: kernel.4.cloned.1.call-start
scs
__scs_entry_jumppad:
0x0: {  	(pc) =	sbr.rel $0x88, $3  }
0x1: {  	(tag) =	ssettag $0x0;
	lr =	simm.s32 $0x1  }
0x2: {  	[smem:$0x3F9D] =	sst lr;
	_ =	strace $0xD0000000  }
0x3: {  	_ = 	snop  }
0x4: {  	_ = 	snop  }
0x5: {  	_ = 	snop  }
0x6: {  	_ = 	snop  }
0x7: {  	_ = 	snop  }
__scs_overlays_trampoline_lowered:
0x8: {  	[smem:$0x3FAC] =	sst s0  }
0x9: {  	[smem:$0x3FAD] =	sst s1  }
0xa: {  	[smem:$0x3FAE] =	sst s2  }
0xb: {  	[smem:$0x3FAF] =	sst s3  }
0xc: {  	[smem:$0x3FB0] =	sst s4  }
0xd: {  	[smem:$0x3FB1] =	sst s5  }
0xe: {  	[smem:$0x3FB2] =	sst s6  }
0xf: {  	[smem:$0x3FB3] =	sst s7  }
0x10: {  	[smem:$0x3FB4] =	sst s8  }
0x11: {  	[smem:$0x3FB5] =	sst s9;
	s0 =	simm.s32 @!p0 $0x0  }
0x12: {  	s1 =	sld [smem:$0x3F9B];
	s0 =	simm.s32 @p0 $0x1  }
0x13: {  	[smem:$0x3FB6] =	sst s0;
	s0 =	simm.s32 @!p1 $0x0  }
0x14: {  	s2 =	sld [smem:$0x3F9A];
	s0 =	simm.s32 @p1 $0x1  }
0x15: {  	[smem:$0x3FB7] =	sst s0;
	s0 =	simm.s32 @!p2 $0x0  }
0x16: {  	s3 =	sld [smem:$0x3FDB];
	s0 =	simm.s32 @p2 $0x1  }
0x17: {  	s4 =	simm.s32 $0x1BF5;
	[smem:$0x3FB9] =	sst s0  }
0x18: {  	s0 =	sld [smem:$0x3F9C];
	_ =	swait.ge [sflag:s4], $0x0  }
0x19: {  	s7 =	sld [smem:$0x3F9D]  }
0x1a: {  	s8 =	sadd.s32 $0xFFFFE003, lr  }
0x1b: {  	s9 =	sadd.s32 $0xFFFFFEF7, lr;
	s5 =	simm.s32 $0xFFFFFFFF;
	p2 =	slt.u32 s8, $0xFFFFF086  }
0x1c: {  	p1 =	slt.u32 s9, $0xF7A;
	s5 =	simm.s32 @!p2 $0x0  }
0x1d: {  	s5 =	simm.s32 @p1 $0x1;
	p0 =	seq.s32 s7, s2  }
0x1e: {  	s7 =	smul.u32 @!p0 $0xF7A, s2;
	p2 =	seq.s32 @!p0 s5, $0x0  }
0x1f: {  	s9 =	smul.u32 $0xF7A, s1;
	s8 =	simm.s32 @!p0 $0x1BF5;
	p2 =	por !p2, p0  }
0x20: {  	[sflag:s8] =	ssyncset.s32 @!p0 $0xFFFFF086;
	s6 =	sadd.s32 @!p0 s3, s7;
	s7 =	simm.s32 @!p0 $0x108  }
0x21: {  	s3 =	sadd.s32 s3, s9;
	s6 =	sadd.s32 @!p0 $0x88, s6;
	s7 =	simm.s32 @p2 $0x1082  }
0x22: {  	[simem:s7], [sflag:s8] =	dma.local @!p0 [hbm:s6], $0xF7A  }
0x23: {  	s9 =	sor.u32 $0xD0000000, s2;
	s6 =	simm.s32 $0x108;
	_ =	swait.ge @!p0 [sflag:s8], $0x0  }
0x24: {  	s3 =	sadd.s32 $0x88, s3;
	s6 =	simm.s32 @!p1 $0x1082;
	[sflag:s4] =	ssyncset.s32 $0xFFFFF086  }
0x25: {  	[simem:s6], [sflag:s4] =	dma.local [hbm:s3], $0xF7A  }
0x26: {  	[smem:$0x3F9D] =	sst s1;
	(tag) =	ssettag s2;
	_ =	strace s9  }
0x27: {  	s1 =	sld [smem:$0x3FAD]  }
0x28: {  	s2 =	sld [smem:$0x3FAE]  }
0x29: {  	s4 =	sld [smem:$0x3FB0]  }
0x2a: {  	p0 =	seq.s32 s5, $0x0;
	s5 =	sld [smem:$0x3FB1]  }
0x2b: {  	s6 =	sld [smem:$0x3FB2]  }
0x2c: {  	s7 =	sld [smem:$0x3FB3]  }
0x2d: {  	s3 =	simm.s32 $0x108;
	s8 =	sld [smem:$0x3FB4]  }
0x2e: {  	s3 =	simm.s32 @!p0 $0x1082;
	s9 =	sld [smem:$0x3FB5]  }
0x2f: {  	lr =	sadd.s32 s0, s3;
	s0 =	sld [smem:$0x3FAC]  }
0x30: {  	s3 =	sld [smem:$0x3FAF]  }
0x31: {  	[smem:$0x3FB8] =	sst s10  }
0x32: {  	s10 =	sld [smem:$0x3FB6];
	_ =	sdelay $0x3  }
0x33: {  	p0 =	seq.s32 s10, $0x1;
	s10 =	sld [smem:$0x3FB8];
	_ =	sdelay $0x3  }
0x34: {  	[smem:$0x3FB8] =	sst s10  }
0x35: {  	s10 =	sld [smem:$0x3FB7];
	_ =	sdelay $0x3  }
0x36: {  	p1 =	seq.s32 s10, $0x1;
	s10 =	sld [smem:$0x3FB8];
	_ =	sdelay $0x3  }
0x37: {  	[smem:$0x3FB8] =	sst s10  }
0x38: {  	s10 =	sld [smem:$0x3FB9]  }
0x39: {  	_ = 	snop;
	(pc) =	sbr.ind lr, $3  }
0x3a: {  	_ = 	snop  }
0x3b: {  	_ = 	snop  }
0x3c: {  	p2 =	seq.s32 s10, $0x1;
	s10 =	sld [smem:$0x3FB8]  }
0x3d: {  	_ =	shalt  }
0x3e: {  	_ =	shalt  }
0x3f: {  	_ =	shalt  }
0x40: {  	_ =	shalt  }
0x41: {  	_ =	shalt  }
0x42: {  	_ =	shalt  }
0x43: {  	_ =	shalt  }
0x44: {  	_ =	shalt  }
0x45: {  	_ =	shalt  }
0x46: {  	_ =	shalt  }
0x47: {  	_ =	shalt  }
0x48: {  	_ =	shalt  }
0x49: {  	_ =	shalt  }
0x4a: {  	_ =	shalt  }
0x4b: {  	_ =	shalt  }
0x4c: {  	_ =	shalt  }
0x4d: {  	_ =	shalt  }
0x4e: {  	_ =	shalt  }
0x4f: {  	_ =	shalt  }
0x50: {  	_ =	shalt  }
0x51: {  	_ =	shalt  }
0x52: {  	_ =	shalt  }
0x53: {  	_ =	shalt  }
0x54: {  	_ =	shalt  }
0x55: {  	_ =	shalt  }
0x56: {  	_ =	shalt  }
0x57: {  	_ =	shalt  }
0x58: {  	_ =	shalt  }
0x59: {  	_ =	shalt  }
0x5a: {  	_ =	shalt  }
0x5b: {  	_ =	shalt  }
0x5c: {  	_ =	shalt  }
0x5d: {  	_ =	shalt  }
0x5e: {  	_ =	shalt  }
0x5f: {  	_ =	shalt  }
0x60: {  	_ =	shalt  }
0x61: {  	_ =	shalt  }
0x62: {  	_ =	shalt  }
0x63: {  	_ =	shalt  }
0x64: {  	_ =	shalt  }
0x65: {  	_ =	shalt  }
0x66: {  	_ =	shalt  }
0x67: {  	_ =	shalt  }
0x68: {  	_ =	shalt  }
0x69: {  	_ =	shalt  }
0x6a: {  	_ =	shalt  }
0x6b: {  	_ =	shalt  }
0x6c: {  	_ =	shalt  }
0x6d: {  	_ =	shalt  }
0x6e: {  	_ =	shalt  }
0x6f: {  	_ =	shalt  }
0x70: {  	_ =	shalt  }
0x71: {  	_ =	shalt  }
0x72: {  	_ =	shalt  }
0x73: {  	_ =	shalt  }
0x74: {  	_ =	shalt  }
0x75: {  	_ =	shalt  }
0x76: {  	_ =	shalt  }
0x77: {  	_ =	shalt  }
0x78: {  	_ =	shalt  }
0x79: {  	_ =	shalt  }
0x7a: {  	_ =	shalt  }
0x7b: {  	_ =	shalt  }
0x7c: {  	_ =	shalt  }
0x7d: {  	_ =	shalt  }
0x7e: {  	_ =	shalt  }
0x7f: {  	_ =	shalt  }
0x80: {  	_ =	shalt  }
0x81: {  	_ =	shalt  }
0x82: {  	_ =	shalt  }
0x83: {  	_ =	shalt  }
0x84: {  	_ =	shalt  }
0x85: {  	_ =	shalt  }
0x86: {  	_ =	shalt  }
0x87: {  	_ =	shalt  }
.Lfunc_end0:
.L_simem_size_0:
called_computation_lowered:
.L_overlay_start_0:
0x88: {  	s2 =	sld [smem:$0x3FD9]  }
0x89: {  	s3 =	sld [smem:$0x3FFE];
	_ =	sdelay $0x1  }
0x8a: {  	s1 =	srdreg.scid  }
0x8b: {  	s0 =	sand.u32 $0x1, s1  }
0x8c: {  	s17 =	sshll.u32 s0, $0xA;
	s2 =	sadd.s32 s3, s2  }
0x8d: {  	s2 =	sadd.s32 s2, s17  }
0x8e: {  	[smem:$0x3FC4] =	sst s2  }
0x8f: {  	_ = 	snop  }
0x90: {  	s2 =	sld [smem:$0x3FC7]  }
0x91: {  	s18 =	sld [smem:$0x3FC6];
	(tm) =	ssettm $0x1  }
0x92: {  	s4 =	sld [smem:$0x3FFB];
	_ =	sdelay $0x3  }
0x93: {  	_ =	strace s4  }
0x94: {  	s4 =	sld [smem:$0x3FFC];
	_ =	sdelay $0x3  }
0x95: {  	_ =	strace s4  }
0x96: {  	s4 =	sld [smem:$0x3FFD];
	_ =	sdelay $0x3  }
0x97: {  	_ =	strace s4  }
0x98: {  	_ =	strace $0x8FFFFFFF  }
0x99: {  	s19 =	sld [smem:$0x3FDB];
	_ =	sdelay $0x1  }
0x9a: {  	s5 =	simm.s32 $_scs_section_size  }
0x9b: {  	s6 =	simm.s32 $_size__tile_overlayer_lowered;
	s7 =	simm.s32 $_tile_overlayer_lowered  }
0x9c: {  	s22 =	simm.s32 $0x1BFF;
	s21 =	sshll.u32 s7, $0x1;
	s4 =	sadd.s32 s5, s19  }
0x9d: {  	s8 =	simm.s32 $0x0;
	s20 =	sshll.u32 s6, $0x1;
	s6 =	sadd.s32 s21, s4  }
0x9e: {  	[timem:s8], [sflag:s22] =	dma.local [hbm:s6], s20  }
0x9f: {  	_ =	swait.ge [sflag:s22], s20  }
0xa0: {  	s5 =	ssub.s32 $0x0, s20;
	[sflag:s22] =	ssyncset.done $0x0  }
0xa1: {  	[sflag:s22] =	ssyncadd.s32 s5;
	_ =	sdelay $0x1  }
0xa2: {  	s23 =	simm.s32 $0x1B8B  }
0xa3: {  	_ =	swait.ge [sflag:s23], $0x1  }
0xa4: {  	[sflag:s23] =	ssyncset.done $0x0  }
0xa5: {  	s25 =	simm.s32 $0x1B8E;
	s24 =	sld [smem:$0x3FFE];
	[sflag:s23] =	ssyncadd.s32 $0xFFFFFFFF  }
0xa6: {  	s26 =	simm.s32 $execute0_lowered;
	[smem:$0x3FD2] =	sst s25  }
0xa7: {  	s6 =	sshll.u32 s26, $0x1;
	_ =	strace $0x80000046;
	[dreg:$0x1] =	wrdreg $0xFFFFFFFF  }
0xa8: {  	s28 =	simm.s32 $_size_execute0_lowered;
	s4 =	sadd.s32 s4, s6;
	[dreg:$0x0] =	wrdreg $0x0  }
0xa9: {  	s6 =	sshll.u32 s28, $0x1;
	[dreg:$0x2] =	wrdreg s4  }
0xaa: {  	[dreg:$0x3] =	wrdreg s6  }
0xab: {  	[dreg:$0x4] =	wrdreg $0xC0  }
0xac: {  	_ =	task [dreg:s8], $0x5FFFF  }
0xad: {  	[dreg:$0x1] =	wrdreg $0xFFFFFFFF  }
0xae: {  	[dreg:$0x0] =	wrdreg $0x60  }
0xaf: {  	[dreg:$0x2] =	wrdreg s24  }
0xb0: {  	[dreg:$0x3] =	wrdreg s2  }
0xb1: {  	[dreg:$0x4] =	wrdreg s18  }
0xb2: {  	[dreg:$0x5] =	wrdreg $0x9  }
0xb3: {  	_ =	task.clear_ibuf [dreg:s8], $0x6FFFF;
	_ =	strace $0x90000046  }
0xb4: {  	s29 =	simm.s32 $0x9;
	_ =	strace $0x80000048  }
0xb5: {  	_ =	swait.ge [sflag:s29], $0x1  }
0xb6: {  	[sflag:s29] =	ssyncadd.s32 $0xFFFFFFFF  }
0xb7: {  	_ =	strace $0x90000048  }
0xb8: {  	_ =	sfence  }
0xb9: {  	s30 =	sld [smem:$0x0];
	_ =	sdelay $0x2  }
0xba: {  	s31 =	sshll.u32 s1, $0xD;
	s1 =	sshrl.u32 s1, $0x2  }
0xbb: {  	s3 =	sand.u32 $0x4000, s31;
	s1 =	sadd.s32 s1, s30  }
0xbc: {  	s0 =	sor.u32 s3, s0;
	s1 =	sshll.u32 s1, $0x11  }
0xbd: {  	s0 =	sor.u32 s1, s0  }
0xbe: {  	s0 =	sadd.s32 $0x8F2B, s0  }
0xbf: {  	[sflag:s0] =	ssyncadd.remote.s32 $0x1  }
0xc0: {  	_ =	sfence.sel $0xFFFF  }
0xc1: {  	[dreg:$0x0] =	wrdreg $0xFFFFFFFF;
	(pc) =	sbr.abs _section_cstart, $3  }
0xc2: {  	[dreg:$0x1] =	wrdreg $0xFFFFFFFF  }
0xc3: {  	_ =	task.clear_ibuf [dreg:s8], $0x2FFFF;
	_ =	strace $0x9FFFFFFF  }
0xc4: {  	(tm) =	ssettm $0x7FFFFFFF  }
0xc5: {  	_ =	shalt  }
tec
execute0_lowered:
.L_overlay_start_1:
0x0: {  	(tag) =	ssettag $0x1  }
0x1: {  	s0 =	rddreg [dreg:$0x0]  }
0x2: {  	s1 =	rddreg [dreg:$0x1];
	s2 =	srdreg.scid  }
0x3: {  	s4 =	stileid.u32;
	s12 =	rddreg [dreg:$0x2]  }
0x4: {  	s23 =	simm.s32 $0x4000;
	s24 =	simm.s32 $0x5000;
	s25 =	simm.s32 $0x1  }
0x5: {  	s28 =	simm.s32 $0x7000;
	s29 =	simm.s32 $0x80;
	s30 =	simm.s32 $0x400  }
0x6: {  	s31 =	simm.s32 $0x7100;
	s3 =	sand.u32 $0x1, s2;
	s4 =	sshll.u32 s4, $0x1  }
0x7: {  	s2 =	simm.s32 $0x0;
	s6 =	sadd.s32 $0x5000, s0;
	s7 =	sadd.s32 $0x1000, s0  }
0x8: {  	s8 =	sadd.s32 $0xD000, s0;
	s11 =	sadd.s32 $0x9000, s0;
	s9 =	sor.u32 s3, s4  }
0x9: {  	[smem:$0x7FF] =	sst s2;
	s3 =	ssub.s32 $0x2, s3;
	s10 =	sshll.u32 s9, $0x8  }
0xa: {  	s4 =	sshll.u32 s9, $0x7;
	_ =	strace $0x80000047;
	s26 =	sshrl.u32 s3, $0x1  }
0xb: {  	s14 =	sshll.u32 s9, $0x9;
	s5 =	sand.u32 $0x1800, s10;
	s4 =	sand.u32 $0x380, s4  }
0xc: {  	s15 =	ssub.s32 s3, s26;
	s3 =	sadd.s32 s6, s10;
	s13 =	sor.u32 $0x2000, s10  }
0xd: {  	s9 =	sadd.s32 s11, s10;
	s12 =	sadd.s32 s12, s14;
	s4 =	sor.u32 s4, s5  }
0xe: {  	s26 =	simm.s32 $0x6000;
	s5 =	sadd.s32 s7, s10;
	s4 =	sshrl.u32 s4, $0x3  }
0xf: {  	s15 =	smax.u32 s15, $0x1;
	s0 =	sadd.s32 s4, s0;
	s4 =	sadd.s32 s6, s13  }
0x10: {  	s6 =	sadd.s32 s7, s13;
	s7 =	sadd.s32 s8, s10;
	s8 =	sadd.s32 s8, s13  }
0x11: {  	v0 =	vimm.f32 $0.0e+00;
	v3 =	vlaneseq.u32;
	s10 =	sadd.s32 s11, s13;
	s11 =	sadd.s32 s1, s14;
	s1 =	simm.s32 $0x2  }
0x12: {  	v1 =	vimm.f32 $1.000000000e+00;
	v2 =	vmul.u32 $0x2, v3;
	v3 =	vmul.u32 $0x100, v3;
	s13 =	sadd.s32 $0x11000, s0;
	s14 =	sadd.s32 $0x11400, s0;
	s0 =	simm.s32 $0x0  }
.LBB2_1:
0x13: {  	[tilespmem:s2], [sflag:$0x1] =	stream.linear.gather [hbm4b:s3+s2], $0x800, $0x38;
	[tilespmem:$0x7200] =	vst v63  }
0x14: {  	s16 =	simm.s32 $0x800  }
0x15: {  	[tilespmem:s16], [sflag:$0x1] =	stream.linear.gather [hbm4b:s4+s2], $0x800, $0x38;
	[tilespmem:$0x7200] =	vst v63  }
0x16: {  	s17 =	simm.s32 $0x1000  }
0x17: {  	[tilespmem:s17], [sflag:$0x1] =	stream.linear.gather [hbm4b:s5+s2], $0x800, $0x38;
	[tilespmem:$0x7200] =	vst v63  }
0x18: {  	s18 =	simm.s32 $0x1800  }
0x19: {  	[tilespmem:s18], [sflag:$0x1] =	stream.linear.gather [hbm4b:s6+s2], $0x800, $0x38;
	[tilespmem:$0x7200] =	vst v63  }
0x1a: {  	s19 =	simm.s32 $0x2000  }
0x1b: {  	[tilespmem:s19], [sflag:$0x1] =	stream.linear.gather [hbm4b:s7+s2], $0x800, $0x38;
	[tilespmem:$0x7200] =	vst v63  }
0x1c: {  	s20 =	simm.s32 $0x2800  }
0x1d: {  	[tilespmem:s20], [sflag:$0x1] =	stream.linear.gather [hbm4b:s8+s2], $0x800, $0x38;
	[tilespmem:$0x7200] =	vst v63  }
0x1e: {  	s21 =	simm.s32 $0x3000  }
0x1f: {  	[tilespmem:s21], [sflag:$0x1] =	stream.linear.gather [hbm4b:s9+s2], $0x800, $0x38;
	[tilespmem:$0x7200] =	vst v63  }
0x20: {  	s22 =	simm.s32 $0x3800  }
0x21: {  	[tilespmem:s22], [sflag:$0x1] =	stream.linear.gather [hbm4b:s10+s2], $0x800, $0x38;
	[tilespmem:$0x7200] =	vst v63  }
0x22: {  	_ = 	snop  }
0x23: {  	[tilespmem:s23], [sflag:$0x1] =	stream.linear.gather [hbm4b:s11+s2], $0x1000, $0x38;
	[tilespmem:$0x7200] =	vst v63  }
0x24: {  	s17 =	simm.s32 $0x6040  }
0x25: {  	[tilespmem:s24], [sflag:$0x1] =	stream.linear.gather [hbm4b:s12+s2], $0x1000, $0x38;
	[tilespmem:$0x7200] =	vst v63  }
0x26: {  	[tilespmem:s17+$0xFFFFFFC0] =	vst v0  }
0x27: {  	[tilespmem:s17+$0x30] =	vst v0  }
0x28: {  	[tilespmem:s17+$0x20] =	vst v0  }
0x29: {  	[tilespmem:s17+$0x10] =	vst v0  }
0x2a: {  	[tilespmem:s17+$0x0] =	vst v0  }
0x2b: {  	[tilespmem:s17+$0xFFFFFFF0] =	vst v0  }
0x2c: {  	s16 =	simm.s32 $0x7020;
	s18 =	simm.s32 $0x0;
	[tilespmem:s17+$0xFFFFFFE0] =	vst v0  }
.LBB2_2:
0x2d: {  	s18 =	sadd.s32 $0x80, s18;
	[tilespmem:s17+$0xFFFFFFD0] =	vst v0;
	s17 =	sadd.s32 $0x80, s17  }
0x2e: {  	[tilespmem:s17+$0xFFFFFFC0] =	vst v0;
	p0 =	slt.u32 s18, $0xF80  }
0x2f: {  	[tilespmem:s17+$0x30] =	vst v0  }
.Ltmp0:
0x30: {  	[tilespmem:s17+$0x20] =	vst v0;
	(pc) =	sbr.rel @p0 .LBB2_2-.Ltmp0, $4  }
0x31: {  	[tilespmem:s17+$0x10] =	vst v0  }
0x32: {  	[tilespmem:s17+$0x0] =	vst v0  }
0x33: {  	[tilespmem:s17+$0xFFFFFFF0] =	vst v0  }
0x34: {  	[tilespmem:s17+$0xFFFFFFE0] =	vst v0  }
0x35: {  	[tilespmem:s17+$0xFFFFFFD0] =	vst v0  }
0x36: {  	[tilespmem:s16+$0xFFFFFFE0] =	vst v0  }
0x37: {  	[tilespmem:s16+$0x10] =	vst v0  }
0x38: {  	s17 =	simm.s32 $0x0;
	[tilespmem:s16+$0x0] =	vst v0  }
.LBB2_4:
0x39: {  	s17 =	sadd.s32 $0x40, s17  }
0x3a: {  	[tilespmem:s16+$0xFFFFFFF0] =	vst v0;
	s16 =	sadd.s32 $0x40, s16;
	p0 =	slt.u32 s17, $0xC0  }
.Ltmp1:
0x3b: {  	[tilespmem:s16+$0xFFFFFFE0] =	vst v0;
	(pc) =	sbr.rel @p0 .LBB2_4-.Ltmp1, $3  }
0x3c: {  	_ =	sdelay $0x1  }
0x3d: {  	[tilespmem:s16+$0x10] =	vst v0  }
0x3e: {  	[tilespmem:s16+$0x0] =	vst v0  }
0x3f: {  	[tilespmem:s16+$0xFFFFFFF0] =	vst v0  }
0x40: {  	_ =	swait.ge [sflag:s25], $0x800  }
0x41: {  	[sflag:s25] =	ssyncset.done $0x0  }
0x42: {  	[sflag:s25] =	ssyncadd.s32 $0xFFFFF800  }
0x43: {  	_ =	swait.ge [sflag:s25], $0x800  }
0x44: {  	[sflag:s25] =	ssyncset.done $0x0  }
0x45: {  	[sflag:s25] =	ssyncadd.s32 $0xFFFFF800  }
0x46: {  	_ =	swait.ge [sflag:s25], $0x800  }
0x47: {  	[sflag:s25] =	ssyncset.done $0x0  }
0x48: {  	[sflag:s25] =	ssyncadd.s32 $0xFFFFF800  }
0x49: {  	_ =	swait.ge [sflag:s25], $0x800  }
0x4a: {  	[sflag:s25] =	ssyncset.done $0x0  }
0x4b: {  	[sflag:s25] =	ssyncadd.s32 $0xFFFFF800  }
0x4c: {  	_ =	swait.ge [sflag:s25], $0x800  }
0x4d: {  	[sflag:s25] =	ssyncset.done $0x0  }
0x4e: {  	[sflag:s25] =	ssyncadd.s32 $0xFFFFF800  }
0x4f: {  	_ =	swait.ge [sflag:s25], $0x800  }
0x50: {  	[sflag:s25] =	ssyncset.done $0x0  }
0x51: {  	[sflag:s25] =	ssyncadd.s32 $0xFFFFF800  }
0x52: {  	_ =	swait.ge [sflag:s25], $0x800  }
0x53: {  	[sflag:s25] =	ssyncset.done $0x0  }
0x54: {  	[sflag:s25] =	ssyncadd.s32 $0xFFFFF800  }
0x55: {  	_ =	swait.ge [sflag:s25], $0x800  }
0x56: {  	[sflag:s25] =	ssyncset.done $0x0  }
0x57: {  	[sflag:s25] =	ssyncadd.s32 $0xFFFFF800  }
0x58: {  	_ =	swait.ge [sflag:s25], $0x1000  }
0x59: {  	[sflag:s25] =	ssyncset.done $0x0  }
0x5a: {  	[sflag:s25] =	ssyncadd.s32 $0xFFFFF000  }
0x5b: {  	_ =	swait.ge [sflag:s25], $0x1000  }
0x5c: {  	[sflag:s25] =	ssyncset.done $0x0  }
0x5d: {  	s20 =	simm.s32 $0x0;
	[sflag:s25] =	ssyncadd.s32 $0xFFFFF000  }
0x5e: {  	v5 =	vld [tilespmem:s20+$0x820]  }
0x5f: {  	v6 =	vld [tilespmem:s20+$0x1810]  }
0x60: {  	v7 =	vld [tilespmem:s20+$0x1010]  }
0x61: {  	s18 =	simm.s32 $0x0;
	v8 =	vld [tilespmem:s20+$0x20]  }
0x62: {  	v12 =	vmov s18;
	v9 =	vld [tilespmem:s20+$0x810]  }
0x63: {  	v12 =	vshll.u32 v12, $0x1;
	v10 =	vld [tilespmem:s20+$0x10]  }
0x64: {  	s17 =	simm.s32 $0x10;
	v16 =	vor.u32 v2, v12;
	v12 =	vld [tilespmem:s20+$0x30]  }
0x65: {  	v4 =	vmov s17;
	v14 =	vld [tilespmem:s20+$0x1020]  }
0x66: {  	v4 =	vshll.u32 v4, $0x1;
	v17 =	vld [tilespmem:s20+$0x800]  }
0x67: {  	s21 =	simm.s32 $0x20;
	v11 =	vor.u32 v2, v4;
	v7 =	vmul.f32 $-1.200000000e+01, v7;
	v5 =	vmul.f32 $-1.200000000e+01, v5  }
0x68: {  	v4 =	vmov s21;
	v6 =	vmul.f32 $-1.200000000e+01, v6;
	v9 =	vmul.f32 $-1.200000000e+01, v9  }
0x69: {  	v15 =	vor.u32 $0x1, v11;
	v8 =	vmul.f32 $-1.200000000e+01, v8;
	v10 =	vmul.f32 $-1.200000000e+01, v10  }
0x6a: {  	v4 =	vshll.u32 v4, $0x1;
	v14 =	vmul.f32 $-1.200000000e+01, v14;
	v12 =	vmul.f32 $-1.200000000e+01, v12  }
0x6b: {  	v17 =	vmul.f32 $-1.200000000e+01, v17;
	v7 =	vmin.f32 v7, $2.100000000e+01;
	v6 =	vmin.f32 v6, $2.100000000e+01  }
0x6c: {  	v9 =	vmin.f32 v9, $2.100000000e+01;
	v8 =	vmin.f32 v8, $2.100000000e+01;
	v10 =	vmin.f32 v10, $2.100000000e+01  }
0x6d: {  	v18 =	vld [tilespmem:s20+$0x1820];
	v5 =	vmin.f32 v5, $2.100000000e+01;
	v7 =	vmul.f32 $1.442695020e+00, v7;
	v6 =	vmul.f32 $1.442695020e+00, v6  }
0x6e: {  	v19 =	vld [tilespmem:s20+$0x830];
	v14 =	vmin.f32 v14, $2.100000000e+01;
	v8 =	vmul.f32 $1.442695020e+00, v8;
	v9 =	vmul.f32 $1.442695020e+00, v9  }
0x6f: {  	s22 =	simm.s32 $0x30;
	v20 =	vld [tilespmem:s20+$0x0];
	v17 =	vmin.f32 v17, $2.100000000e+01;
	v10 =	vmul.f32 $1.442695020e+00, v10;
	(erf) = vpow2.f32 v7  }
0x70: {  	v21 =	vld [tilespmem:s20+$0x1800];
	v5 =	vmul.f32 $1.442695020e+00, v5;
	v7 =	vmov s22;
	(erf) = vpow2.f32 v9  }
0x71: {  	v14 =	vmul.f32 $1.442695020e+00, v14;
	v7 =	vshll.u32 v7, $0x1;
	v9 =	vld [tilespmem:s20+$0x1000];
	(erf) = vpow2.f32 v6  }
0x72: {  	v22 =	vor.u32 v2, v7;
	v7 =	vmul.f32 $-1.200000000e+01, v18;
	(erf) = vpow2.f32 v8  }
0x73: {  	v36 =	vor.u32 $0x1, v16;
	v17 =	vmul.f32 $1.442695020e+00, v17;
	(erf) = vpow2.f32 v10;
	v10 =	vld [tilespmem:s20+$0x1030]  }
0x74: {  	v18 =	vmul.f32 $-1.200000000e+01, v19;
	v8 =	vmul.f32 $-1.200000000e+01, v20;
	v7 =	vmin.f32 v7, $2.100000000e+01  }
0x75: {  	v24 =	vld [tilespmem:s20+$0x3010];
	v19 =	vor.u32 $0x1, v22;
	v20 =	vmul.f32 $-1.200000000e+01, v21;
	v7 =	vmul.f32 $1.442695020e+00, v7  }
0x76: {  	v8 =	vmin.f32 v8, $2.100000000e+01;
	(erf) = vpow2.f32 v17;
	v17 =	vld [tilespmem:s20+$0x1830];
	v9 =	vmul.f32 $-1.200000000e+01, v9  }
0x77: {  	v27 =	vld [tilespmem:s20+$0x3030];
	v8 =	vmul.f32 $1.442695020e+00, v8;
	(erf) = vpow2.f32 v5;
	v5 =	vmin.f32 v18, $2.100000000e+01  }
0x78: {  	v28 =	vld [tilespmem:s20+$0x3810];
	v25 =	vmul.f32 $1.442695020e+00, v5;
	v9 =	vmin.f32 v9, $2.100000000e+01;
	v23 =	vpop (erf);
	v26 =	vmul.f32 $-1.200000000e+01, v10  }
0x79: {  	v21 =	vld [tilespmem:s20+$0x2010];
	v9 =	vmul.f32 $1.442695020e+00, v9;
	v18 =	vpop (erf);
	(erf) = vpow2.f32 v7;
	v7 =	vmin.f32 v20, $2.100000000e+01  }
0x7a: {  	v4 =	vor.u32 v2, v4;
	v30 =	vld [tilespmem:s20+$0x3020];
	v20 =	vpop (erf);
	(erf) = vpow2.f32 v8;
	v7 =	vmul.f32 $1.442695020e+00, v7  }
0x7b: {  	v17 =	vmul.f32 $-1.200000000e+01, v17;
	v8 =	vadd.f32 $1.000000000e+00, v20;
	(erf) = vpow2.f32 v25;
	v20 =	vld [tilespmem:s20+$0x2810]  }
0x7c: {  	v31 =	vld [tilespmem:s20+$0x2800];
	v18 =	vadd.f32 $1.000000000e+00, v18;
	v25 =	vmin.f32 v26, $2.100000000e+01;
	v26 =	vpop (erf);
	(erf) = vpow2.f32 v7  }
0x7d: {  	v5 =	vld.idx.msk [tilespmem:v19+s24+$0x0], $0xffff;
	v23 =	vadd.f32 $1.000000000e+00, v23;
	v25 =	vmul.f32 $1.442695020e+00, v25;
	(erf) = vpow2.f32 v9;
	v9 =	vpop (erf)  }
0x7e: {  	v7 =	vld.idx.msk [tilespmem:v19+s23+$0x0], $0xffff;
	v19 =	vmul.f32 v18, v21;
	v24 =	vmul.f32 v8, v24;
	v9 =	vadd.f32 $1.000000000e+00, v9  }
0x7f: {  	v12 =	vmin.f32 v12, $2.100000000e+01;
	v21 =	vld [tilespmem:s20+$0x2020];
	v29 =	vmul.f32 v8, v23;
	v23 =	vmul.f32 v23, v28  }
0x80: {  	v33 =	vld [tilespmem:s20+$0x2000];
	(erf) = vpow2.f32 v14;
	v14 =	vmin.f32 v17, $2.100000000e+01;
	v17 =	vpop (erf);
	v20 =	vmul.f32 v9, v20  }
0x81: {  	v37 =	vld [tilespmem:s20+$0x3820];
	(erf) = vpow2.f32 v25;
	v25 =	vadd.f32 $1.000000000e+00, v26;
	v26 =	vpop (erf);
	v14 =	vmul.f32 $1.442695020e+00, v14  }
0x82: {  	v23 =	vadd.f32 v24, v23;
	v24 =	vld [tilespmem:s20+$0x2820];
	v26 =	vadd.f32 $1.000000000e+00, v26;
	v9 =	vmul.f32 v18, v9  }
0x83: {  	v62 =	vld [tilespmem:s20+$0x3830];
	v12 =	vmul.f32 $1.442695020e+00, v12;
	v18 =	vpop (erf);
	v19 =	vadd.f32 v19, v20;
	(erf) = vpow2.f32 v14  }
0x84: {  	v6 =	vld.idx.msk [tilespmem:v16+s23+$0x0], $0xffff;
	v21 =	vmul.f32 v26, v21;
	v34 =	vmul.f32 v29, v9;
	v35 =	vadd.f32 $1.000000000e+00, v18;
	v20 =	vpop (erf)  }
0x85: {  	v28 =	vld [tilespmem:s20+$0x2030];
	(erf) = vpow2.f32 v12;
	v38 =	vmul.f32 v29, v19;
	v14 =	vadd.f32 $1.000000000e+00, v20  }
0x86: {  	v13 =	vor.u32 $0x1, v4;
	v29 =	vld [tilespmem:s20+$0x3000];
	v32 =	vpop (erf);
	v20 =	vmul.f32 v26, v25;
	v30 =	vmul.f32 v35, v30  }
0x87: {  	v17 =	vadd.f32 $1.000000000e+00, v17;
	v18 =	vld [tilespmem:s20+$0x3800];
	v26 =	vmul.f32 v23, v9;
	v23 =	vmul.f32 v25, v24;
	v12 =	vpop (erf)  }
0x88: {  	v16 =	vld.idx.msk [tilespmem:v16+s24+$0x0], $0xffff;
	v32 =	vadd.f32 $1.000000000e+00, v32;
	(erf) = vrcp.f32 v34;
	v19 =	vpop (erf);
	v31 =	vmul.f32 v14, v31  }
0x89: {  	v8 =	vld.idx.msk [tilespmem:v22+s23+$0x0], $0xffff;
	v39 =	vmul.f32 v17, v14;
	v58 =	vadd.f32 $1.000000000e+00, v12;
	v19 =	vadd.f32 $1.000000000e+00, v19;
	v14 =	vpop (erf)  }
0x8a: {  	v9 =	vld.idx.msk [tilespmem:v22+s24+$0x0], $0xffff;
	v24 =	vmul.f32 v17, v33;
	v22 =	vmul.f32 v32, v28;
	v17 =	vadd.f32 $1.000000000e+00, v14  }
0x8b: {  	v10 =	vld [tilespmem:s20+$0x2830];
	v21 =	vadd.f32 v21, v23;
	v59 =	vmul.f32 v58, v29;
	v40 =	vmul.f32 v58, v19  }
0x8c: {  	v33 =	vld.idx.msk [tilespmem:v15+s23+$0x0], $0xffff;
	v28 =	vmul.f32 v19, v18;
	v23 =	vmul.f32 v35, v17  }
0x8d: {  	v12 =	vld.idx.msk [tilespmem:v36+s24+$0x0], $0xffff;
	v19 =	vpop (erf);
	v60 =	vmul.f32 v40, v39;
	v61 =	vmul.f32 v17, v37  }
0x8e: {  	v14 =	vld.idx.msk [tilespmem:v13+s24+$0x0], $0xffff;
	v42 =	vadd.f32 v59, v28;
	v25 =	vpop (erf);
	v19 =	vadd.f32 $1.000000000e+00, v19;
	v63 =	vmul.f32 v23, v20  }
0x8f: {  	v35 =	vld.idx.msk [tilespmem:v11+s23+$0x0], $0xffff;
	v17 =	vmul.f32 v23, v21;
	v21 =	vpop (erf);
	v41 =	vadd.f32 $1.000000000e+00, v25;
	(erf) = vrcp.f32 v60  }
0x90: {  	v30 =	vadd.f32 v30, v61;
	v25 =	vld.idx.msk [tilespmem:v11+s24+$0x0], $0xffff;
	v29 =	vadd.f32 $1.000000000e+00, v21;
	v11 =	vmul.f32 v19, v62  }
0x91: {  	v23 =	vld.idx.msk [tilespmem:v15+s24+$0x0], $0xffff;
	v21 =	vadd.f32 v24, v31;
	(erf) = vrcp.f32 v63;
	v15 =	vmul.f32 v41, v27  }
0x92: {  	v18 =	vld.idx.msk [tilespmem:v36+s23+$0x0], $0xffff;
	v37 =	vpop (erf);
	v24 =	vadd.s32 v3, v9;
	v28 =	vmul.f32 v41, v19;
	v31 =	vmul.f32 v32, v29  }
0x93: {  	v19 =	vadd.s32 v3, v5;
	v36 =	vmul.f32 v37, v38;
	v27 =	vld.idx.msk [tilespmem:v13+s23+$0x0], $0xffff;
	v34 =	vmul.f32 v40, v21  }
0x94: {  	s16 =	simm.s32 $0x7110;
	s19 =	simm.s32 $0x100;
	s17 =	simm.s32 $0x6810;
	v21 =	vld.idx.msk [tilespmem:v4+s24+$0x0], $0xffff;
	v32 =	vmul.f32 v42, v39;
	v11 =	vadd.f32 v15, v11;
	v13 =	vmul.f32 v28, v31  }
.LBB2_6:
0x95: {  	s20 =	sshra.s32 s19, $0x2  }
0x96: {  	s21 =	sadd.s32 $0x50, s18;
	v38 =	vadd.s32 v3, v16;
	v15 =	vadd.s32 v3, v23;
	v26 =	vmul.f32 v37, v26;
	v4 =	vld.idx.msk [tilespmem:v4+s23+$0x0], $0xffff;
	s22 =	smov.u32 s18;
	s18 =	sadd.s32 $0x40, s18  }
0x97: {  	v37 =	vmov s21;
	v39 =	vld [tilespmem:s20+$0x820];
	p0 =	slt.u32 s18, $0x7C0;
	v31 =	vmul.f32 v11, v31;
	(erf) = vrcp.f32 v13  }
0x98: {  	v40 =	vld [tilespmem:s20+$0x1810];
	v11 =	vshll.u32 v37, $0x1;
	v37 =	vadd.s32 v3, v25;
	v26 =	vmul.f32 v26, v33  }
0x99: {  	v20 =	vmul.f32 v30, v20;
	v35 =	vmul.f32 v36, v35;
	v33 =	vld [tilespmem:s20+$0x1010];
	v11 =	vor.u32 v2, v11;
	v30 =	vpop (erf)  }
0x9a: {  	v10 =	vmul.f32 v29, v10;
	s21 =	sadd.s32 $0x60, s22;
	v13 =	vor.u32 $0x1, v11;
	v36 =	vld [tilespmem:s20+$0x20];
	v34 =	vmul.f32 v30, v34;
	v29 =	vpop (erf)  }
0x9b: {  	v42 =	vmov s21;
	v43 =	vadd.s32 v3, v21;
	v41 =	vld [tilespmem:s20+$0x810];
	v17 =	vmul.f32 v29, v17  }
0x9c: {  	v42 =	vshll.u32 v42, $0x1;
	v30 =	vmul.f32 v30, v32;
	v44 =	vld [tilespmem:s20+$0x10];
	v6 =	vmul.f32 v34, v6  }
0x9d: {  	v10 =	vadd.f32 v22, v10;
	v32 =	vmov s18;
	[tilespmem:v37+s26+$0x0] =	vst.idx.add.f32.msk $0xffff, v35;
	v34 =	vmul.f32 v17, v4  }
0x9e: {  	v20 =	vmul.f32 v29, v20;
	v17 =	vshll.u32 v32, $0x1;
	v4 =	vor.u32 v2, v42;
	[tilespmem:v15+s26+$0x0] =	vst.idx.add.f32.msk $0xffff, v26  }
0x9f: {  	s21 =	sadd.s32 $0x70, s22;
	v10 =	vmul.f32 v28, v10;
	v17 =	vor.u32 v2, v17;
	v15 =	vor.u32 $0x1, v4;
	v22 =	vld [tilespmem:s20+$0x0]  }
0xa0: {  	v29 =	vmov s21;
	v20 =	vmul.f32 v20, v27;
	v26 =	vmul.f32 $-1.200000000e+01, v39;
	v28 =	vld [tilespmem:s20+$0x30];
	[tilespmem:v25+s28+$0x0] =	vst.idx.msk $0xffff, v1;
	v25 =	vpop (erf)  }
0xa1: {  	v27 =	vmul.f32 $-1.200000000e+01, v41;
	v32 =	vld [tilespmem:s20+$0x1820];
	[tilespmem:v23+s28+$0x0] =	vst.idx.msk $0xffff, v1;
	v23 =	vadd.s32 v3, v14;
	v10 =	vmul.f32 v25, v10  }
0xa2: {  	v33 =	vmul.f32 $-1.200000000e+01, v33;
	v25 =	vmul.f32 v25, v31;
	[tilespmem:v38+s26+$0x0] =	vst.idx.add.f32.msk $0xffff, v6;
	v6 =	vadd.s32 v3, v12  }
0xa3: {  	v31 =	vmul.f32 $-1.200000000e+01, v40;
	v27 =	vmin.f32 v27, $2.100000000e+01;
	[tilespmem:v43+s26+$0x0] =	vst.idx.add.f32.msk $0xffff, v34;
	v8 =	vmul.f32 v10, v8  }
0xa4: {  	v10 =	vmin.f32 v33, $2.100000000e+01;
	v33 =	vmul.f32 $-1.200000000e+01, v36;
	v7 =	vmul.f32 v25, v7;
	v34 =	vld [tilespmem:s20+$0x1020]  }
0xa5: {  	v35 =	vmul.f32 $-1.200000000e+01, v44;
	v31 =	vmin.f32 v31, $2.100000000e+01;
	v10 =	vmul.f32 $1.442695020e+00, v10;
	v25 =	vld [tilespmem:s20+$0x800]  }
0xa6: {  	v18 =	vmul.f32 v30, v18;
	v31 =	vmul.f32 $1.442695020e+00, v31;
	v33 =	vmin.f32 v33, $2.100000000e+01;
	[tilespmem:v24+s26+$0x0] =	vst.idx.add.f32.msk $0xffff, v8  }
0xa7: {  	v8 =	vmin.f32 v35, $2.100000000e+01;
	v24 =	vmul.f32 $1.442695020e+00, v33;
	v30 =	vld [tilespmem:s20+$0x830];
	(erf) = vpow2.f32 v10  }
0xa8: {  	v26 =	vmin.f32 v26, $2.100000000e+01;
	v8 =	vmul.f32 $1.442695020e+00, v8;
	v10 =	vmul.f32 $1.442695020e+00, v27;
	[tilespmem:v6+s26+$0x0] =	vst.idx.add.f32.msk $0xffff, v18  }
0xa9: {  	v27 =	vmul.f32 $-1.200000000e+01, v28;
	v18 =	vshll.u32 v29, $0x1;
	v6 =	vmul.f32 $-1.200000000e+01, v34;
	[tilespmem:v23+s26+$0x0] =	vst.idx.add.f32.msk $0xffff, v20  }
0xaa: {  	v18 =	vor.u32 v2, v18;
	v20 =	vmul.f32 $-1.200000000e+01, v25;
	v23 =	vld [tilespmem:s20+$0x1800];
	(erf) = vpow2.f32 v10;
	[tilespmem:v21+s28+$0x0] =	vst.idx.msk $0xffff, v1  }
0xab: {  	v21 =	vmul.f32 $1.442695020e+00, v26;
	v10 =	vld [tilespmem:s20+$0x1000];
	v25 =	vmin.f32 v6, $2.100000000e+01;
	(erf) = vpow2.f32 v31;
	[tilespmem:v14+s28+$0x0] =	vst.idx.msk $0xffff, v1  }
0xac: {  	v14 =	vmin.f32 v20, $2.100000000e+01;
	v6 =	vld.idx.msk [tilespmem:v17+s23+$0x0], $0xffff;
	v20 =	vmul.f32 $1.442695020e+00, v25;
	v25 =	vmul.f32 $-1.200000000e+01, v32;
	[tilespmem:v16+s28+$0x0] =	vst.idx.msk $0xffff, v1  }
0xad: {  	v16 =	vmin.f32 v27, $2.100000000e+01;
	v26 =	vmul.f32 $-1.200000000e+01, v30;
	(erf) = vpow2.f32 v24;
	[tilespmem:v12+s28+$0x0] =	vst.idx.msk $0xffff, v1  }
0xae: {  	v12 =	vmul.f32 $-1.200000000e+01, v22;
	v14 =	vmul.f32 $1.442695020e+00, v14;
	v22 =	vmin.f32 v25, $2.100000000e+01;
	[tilespmem:v19+s26+$0x0] =	vst.idx.add.f32.msk $0xffff, v7  }
0xaf: {  	v7 =	vmul.f32 $1.442695020e+00, v22;
	v22 =	vor.u32 $0x1, v18;
	(erf) = vpow2.f32 v8;
	[tilespmem:v9+s28+$0x0] =	vst.idx.msk $0xffff, v1  }
0xb0: {  	v8 =	vmin.f32 v12, $2.100000000e+01;
	v9 =	vmul.f32 $-1.200000000e+01, v10;
	v10 =	vmul.f32 $-1.200000000e+01, v23;
	v12 =	vld [tilespmem:s20+$0x1030];
	v23 =	vpop (erf);
	[tilespmem:v5+s28+$0x0] =	vst.idx.msk $0xffff, v1  }
0xb1: {  	v8 =	vmul.f32 $1.442695020e+00, v8;
	v24 =	vld [tilespmem:s20+$0x2010];
	(erf) = vpow2.f32 v14  }
0xb2: {  	v28 =	vmin.f32 v9, $2.100000000e+01;
	v9 =	vmin.f32 v10, $2.100000000e+01;
	v14 =	vld [tilespmem:s20+$0x1830];
	(erf) = vpow2.f32 v21  }
0xb3: {  	v10 =	vmin.f32 v26, $2.100000000e+01;
	v21 =	vmul.f32 $1.442695020e+00, v28;
	v9 =	vmul.f32 $1.442695020e+00, v9;
	v25 =	vld [tilespmem:s20+$0x3010];
	v26 =	vpop (erf)  }
0xb4: {  	v27 =	vmul.f32 $1.442695020e+00, v10;
	v19 =	vld [tilespmem:s20+$0x3030];
	v5 =	vpop (erf);
	(erf) = vpow2.f32 v7  }
0xb5: {  	v28 =	vadd.f32 $1.000000000e+00, v5;
	v7 =	vmul.f32 $-1.200000000e+01, v12;
	v5 =	vld.idx.msk [tilespmem:v22+s24+$0x0], $0xffff;
	(erf) = vpow2.f32 v8  }
0xb6: {  	v16 =	vmul.f32 $1.442695020e+00, v16;
	v12 =	vadd.f32 $1.000000000e+00, v23;
	v10 =	vld [tilespmem:s20+$0x2830];
	v8 =	vpop (erf);
	(erf) = vpow2.f32 v27  }
0xb7: {  	v23 =	vld [tilespmem:s20+$0x2810];
	v7 =	vmin.f32 v7, $2.100000000e+01;
	v14 =	vmul.f32 $-1.200000000e+01, v14;
	(erf) = vpow2.f32 v9  }
0xb8: {  	v9 =	vadd.f32 $1.000000000e+00, v26;
	v25 =	vmul.f32 v28, v25;
	v26 =	vld [tilespmem:s20+$0x3810];
	(erf) = vpow2.f32 v21;
	v21 =	vpop (erf)  }
0xb9: {  	v27 =	vadd.f32 $1.000000000e+00, v8;
	v29 =	vmul.f32 $1.442695020e+00, v7;
	v21 =	vadd.f32 $1.000000000e+00, v21;
	v7 =	vld.idx.msk [tilespmem:v22+s23+$0x0], $0xffff  }
0xba: {  	v22 =	vmul.f32 v9, v24;
	v14 =	vmin.f32 v14, $2.100000000e+01;
	v24 =	vld [tilespmem:s20+$0x2020];
	v30 =	vpop (erf);
	(erf) = vpow2.f32 v20  }
0xbb: {  	v20 =	vmul.f32 v28, v12;
	v8 =	vld.idx.msk [tilespmem:v18+s23+$0x0], $0xffff;
	v28 =	vpop (erf);
	(erf) = vpow2.f32 v29  }
0xbc: {  	v14 =	vmul.f32 $1.442695020e+00, v14;
	v23 =	vmul.f32 v21, v23;
	v28 =	vadd.f32 $1.000000000e+00, v28;
	v29 =	vld [tilespmem:s20+$0x3020]  }
0xbd: {  	v9 =	vmul.f32 v9, v21;
	v31 =	vld [tilespmem:s20+$0x2800];
	v12 =	vmul.f32 v12, v26;
	v21 =	vpop (erf)  }
0xbe: {  	v30 =	vadd.f32 $1.000000000e+00, v30;
	v37 =	vadd.f32 v22, v23;
	v23 =	vld [tilespmem:s20+$0x2030];
	v26 =	vpop (erf);
	(erf) = vpow2.f32 v14  }
0xbf: {  	v14 =	vadd.f32 $1.000000000e+00, v26;
	v12 =	vadd.f32 v25, v12;
	v24 =	vmul.f32 v28, v24;
	v25 =	vld [tilespmem:s20+$0x2820];
	v26 =	vpop (erf)  }
0xc0: {  	v33 =	vmul.f32 v20, v9;
	v21 =	vadd.f32 $1.000000000e+00, v21;
	v32 =	vld [tilespmem:s20+$0x2000];
	v34 =	vpop (erf);
	(erf) = vpow2.f32 v16  }
0xc1: {  	v35 =	vor.u32 $0x1, v17;
	v36 =	vmul.f32 v20, v37;
	v20 =	vmul.f32 v28, v27;
	v16 =	vld [tilespmem:s20+$0x3800];
	v22 =	vpop (erf)  }
0xc2: {  	v37 =	vadd.f32 $1.000000000e+00, v26;
	v29 =	vmul.f32 v21, v29;
	v28 =	vmul.f32 v14, v31;
	v31 =	vld [tilespmem:s20+$0x3000]  }
0xc3: {  	v39 =	vmul.f32 v30, v14;
	v38 =	vadd.f32 $1.000000000e+00, v22;
	v40 =	vld [tilespmem:s20+$0x3820];
	(erf) = vrcp.f32 v33;
	v14 =	vpop (erf)  }
0xc4: {  	v26 =	vmul.f32 v12, v9;
	v33 =	vadd.f32 $1.000000000e+00, v34;
	v41 =	vmul.f32 v27, v25;
	v9 =	vld.idx.msk [tilespmem:v18+s24+$0x0], $0xffff;
	v27 =	vpop (erf)  }
0xc5: {  	v22 =	vmul.f32 v37, v23;
	v32 =	vmul.f32 v30, v32;
	v30 =	vadd.f32 $1.000000000e+00, v14;
	v14 =	vld.idx.msk [tilespmem:v15+s24+$0x0], $0xffff  }
0xc6: {  	v34 =	vmul.f32 v38, v16;
	v38 =	vmul.f32 v33, v38;
	v12 =	vld.idx.msk [tilespmem:v35+s24+$0x0], $0xffff;
	v23 =	vadd.f32 v24, v41  }
0xc7: {  	v24 =	vmul.f32 v33, v31;
	v18 =	vld.idx.msk [tilespmem:v35+s23+$0x0], $0xffff;
	v21 =	vmul.f32 v21, v30;
	v25 =	vpop (erf)  }
0xc8: {  	v27 =	vadd.f32 $1.000000000e+00, v27;
	v31 =	vmul.f32 v38, v39;
	v30 =	vmul.f32 v30, v40;
	v40 =	vld [tilespmem:s20+$0x3830]  }
0xc9: {  	v16 =	vld.idx.msk [tilespmem:v17+s24+$0x0], $0xffff;
	v33 =	vmul.f32 v21, v20;
	v17 =	vmul.f32 v21, v23;
	v21 =	vadd.f32 $1.000000000e+00, v25;
	v25 =	vpop (erf)  }
0xca: {  	v23 =	vld.idx.msk [tilespmem:v13+s24+$0x0], $0xffff;
	v30 =	vadd.f32 v29, v30;
	v29 =	vadd.f32 $1.000000000e+00, v25;
	(erf) = vrcp.f32 v31  }
.Ltmp2:
0xcb: {  	v32 =	vadd.f32 v32, v28;
	v41 =	vadd.f32 v24, v34;
	v25 =	vld.idx.msk [tilespmem:v11+s24+$0x0], $0xffff;
	(erf) = vrcp.f32 v33;
	(pc) =	sbr.rel @p0 .LBB2_6-.Ltmp2, $4  }
0xcc: {  	v33 =	vld.idx.msk [tilespmem:v13+s23+$0x0], $0xffff;
	v13 =	vmul.f32 v21, v19;
	v31 =	vmul.f32 v37, v29;
	v37 =	vpop (erf)  }
0xcd: {  	v28 =	vmul.f32 v21, v27;
	v19 =	vadd.s32 v3, v5;
	v35 =	vld.idx.msk [tilespmem:v11+s23+$0x0], $0xffff;
	v11 =	vmul.f32 v27, v40  }
0xce: {  	v34 =	vmul.f32 v38, v32;
	v24 =	vadd.s32 v3, v9;
	v36 =	vmul.f32 v37, v36;
	v21 =	vld.idx.msk [tilespmem:v4+s24+$0x0], $0xffff  }
0xcf: {  	s19 =	sadd.s32 $0x100, s19;
	v32 =	vmul.f32 v41, v39;
	v27 =	vld.idx.msk [tilespmem:v15+s23+$0x0], $0xffff;
	v11 =	vadd.f32 v13, v11;
	v13 =	vmul.f32 v28, v31  }
0xd0: {  	_ = 	snop  }
0xd1: {  	(erf) = vrcp.f32 v13;
	_ =	sdelay $0x1  }
0xd2: {  	v42 =	vadd.s32 v3, v25  }
0xd3: {  	v15 =	vadd.s32 v3, v23  }
0xd4: {  	v26 =	vmul.f32 v37, v26;
	v10 =	vmul.f32 v29, v10;
	v4 =	vld.idx.msk [tilespmem:v4+s23+$0x0], $0xffff  }
0xd5: {  	v43 =	vadd.s32 v3, v16;
	v44 =	vmul.f32 v36, v35;
	v45 =	vpop (erf)  }
0xd6: {  	v26 =	vmul.f32 v26, v33;
	v10 =	vadd.f32 v22, v10;
	v48 =	vadd.s32 v3, v21;
	v47 =	vpop (erf)  }
0xd7: {  	v51 =	vadd.s32 v3, v12;
	v17 =	vmul.f32 v47, v17;
	[tilespmem:v42+s26+$0x0] =	vst.idx.add.f32.msk $0xffff, v44  }
0xd8: {  	v46 =	vmul.f32 v45, v34;
	v10 =	vmul.f32 v28, v10;
	[tilespmem:v15+s26+$0x0] =	vst.idx.add.f32.msk $0xffff, v26  }
0xd9: {  	v49 =	vmul.f32 v45, v32;
	[tilespmem:v25+s28+$0x0] =	vst.idx.msk $0xffff, v1;
	v4 =	vmul.f32 v17, v4;
	v50 =	vpop (erf)  }
0xda: {  	v6 =	vmul.f32 v46, v6;
	[tilespmem:v23+s28+$0x0] =	vst.idx.msk $0xffff, v1;
	v10 =	vmul.f32 v50, v10  }
0xdb: {  	v20 =	vmul.f32 v30, v20;
	[tilespmem:v48+s26+$0x0] =	vst.idx.add.f32.msk $0xffff, v4;
	v4 =	vmul.f32 v49, v18  }
0xdc: {  	v52 =	vadd.s32 v3, v14;
	[tilespmem:v43+s26+$0x0] =	vst.idx.add.f32.msk $0xffff, v6;
	v6 =	vmul.f32 v10, v8  }
0xdd: {  	v20 =	vmul.f32 v47, v20;
	[tilespmem:v51+s26+$0x0] =	vst.idx.add.f32.msk $0xffff, v4  }
0xde: {  	[tilespmem:v24+s26+$0x0] =	vst.idx.add.f32.msk $0xffff, v6;
	v6 =	vmul.f32 v11, v31  }
0xdf: {  	[tilespmem:v16+s28+$0x0] =	vst.idx.msk $0xffff, v1;
	v8 =	vmul.f32 v20, v27  }
0xe0: {  	[tilespmem:v12+s28+$0x0] =	vst.idx.msk $0xffff, v1;
	v4 =	vmul.f32 v50, v6  }
0xe1: {  	[tilespmem:v52+s26+$0x0] =	vst.idx.add.f32.msk $0xffff, v8  }
0xe2: {  	[tilespmem:v21+s28+$0x0] =	vst.idx.msk $0xffff, v1;
	v4 =	vmul.f32 v4, v7  }
0xe3: {  	[tilespmem:v14+s28+$0x0] =	vst.idx.msk $0xffff, v1  }
0xe4: {  	[tilespmem:v19+s26+$0x0] =	vst.idx.add.f32.msk $0xffff, v4  }
0xe5: {  	[tilespmem:v9+s28+$0x0] =	vst.idx.msk $0xffff, v1  }
0xe6: {  	s18 =	simm.s32 $0x0;
	[tilespmem:v5+s28+$0x0] =	vst.idx.msk $0xffff, v1  }
0xe7: {  	s19 =	sand.u32 $0xE0, s18;
	v4 =	vld [tilespmem:s17+$0xFFFFF7F0]  }
0xe8: {  	v5 =	vld [tilespmem:s19+$0x6100]  }
0xe9: {  	v6 =	vld [tilespmem:s19+$0x6200]  }
0xea: {  	v7 =	vld [tilespmem:s19+$0x6300]  }
0xeb: {  	v8 =	vld [tilespmem:s19+$0x6400]  }
0xec: {  	v9 =	vld [tilespmem:s19+$0x6500]  }
0xed: {  	v10 =	vld [tilespmem:s19+$0x6600]  }
0xee: {  	v11 =	vld [tilespmem:s19+$0x6700]  }
0xef: {  	v12 =	vld [tilespmem:s19+$0x6800]  }
0xf0: {  	v53 =	vld [tilespmem:s19+$0x6900]  }
0xf1: {  	v14 =	vld [tilespmem:s19+$0x6A00]  }
0xf2: {  	v54 =	vld [tilespmem:s19+$0x6B00]  }
0xf3: {  	v16 =	vld [tilespmem:s19+$0x6C00]  }
0xf4: {  	v17 =	vld [tilespmem:s19+$0x6D00]  }
0xf5: {  	v55 =	vld [tilespmem:s19+$0x6E00]  }
0xf6: {  	v19 =	vld [tilespmem:s19+$0x6F00]  }
0xf7: {  	v56 =	vld [tilespmem:s17+$0xFFFFF800]  }
0xf8: {  	v21 =	vld [tilespmem:s17+$0xFFFFF900]  }
0xf9: {  	v57 =	vld [tilespmem:s17+$0xFFFFFC00];
	v4 =	vadd.f32 v5, v4;
	v5 =	vadd.f32 v7, v6  }
0xfa: {  	v60 =	vld [tilespmem:s17+$0xFFFFFD00];
	v7 =	vadd.f32 v9, v8;
	v8 =	vadd.f32 v11, v10  }
0xfb: {  	v6 =	vld [tilespmem:s17+$0xFFFFFA00];
	v10 =	vadd.f32 v53, v12;
	v11 =	vadd.f32 v54, v14  }
0xfc: {  	v9 =	vld [tilespmem:s17+$0xFFFFFB00];
	v58 =	vadd.f32 v17, v16;
	v59 =	vadd.f32 v19, v55  }
0xfd: {  	v4 =	vadd.f32 v5, v4;
	v5 =	vadd.f32 v8, v7;
	v8 =	vld [tilespmem:s17+$0xFFFFFE00]  }
0xfe: {  	v7 =	vadd.f32 v11, v10;
	v10 =	vadd.f32 v59, v58;
	v11 =	vld [tilespmem:s17+$0xFFFFFF00]  }
0xff: {  	v61 =	vld [tilespmem:s17+$0x0]  }
0x100: {  	v7 =	vadd.f32 v10, v7;
	v10 =	vld [tilespmem:s17+$0x100]  }
0x101: {  	v62 =	vadd.f32 v21, v56;
	v5 =	vadd.f32 v5, v4;
	v4 =	vld [tilespmem:s17+$0x200]  }
0x102: {  	v12 =	vadd.f32 v60, v57;
	v9 =	vadd.f32 v9, v6;
	v6 =	vld [tilespmem:s17+$0x300]  }
0x103: {  	v63 =	vadd.f32 v7, v5;
	v7 =	vld [tilespmem:s17+$0x400];
	v11 =	vadd.f32 v11, v8  }
0x104: {  	v5 =	vadd.f32 v9, v62;
	v9 =	vld [tilespmem:s17+$0x500]  }
0x105: {  	v8 =	vld [tilespmem:s17+$0x600];
	[tilespmem:s16+$0xFFFFFFF0] =	vst v63;
	v10 =	vadd.f32 v10, v61;
	v11 =	vadd.f32 v11, v12  }
.LBB2_8:
0x106: {  	s18 =	sadd.s32 $0x20, s18;
	v12 =	vld [tilespmem:s17+$0x700];
	s17 =	sadd.s32 $0x20, s17  }
0x107: {  	v13 =	vld [tilespmem:s17+$0xFFFFF7F0];
	s19 =	sand.u32 $0xE0, s18;
	p0 =	slt.u32 s18, $0xE0;
	v4 =	vadd.f32 v6, v4;
	v5 =	vadd.f32 v11, v5  }
0x108: {  	v6 =	vld [tilespmem:s19+$0x6100]  }
0x109: {  	v11 =	vld [tilespmem:s19+$0x6200];
	v7 =	vadd.f32 v9, v7;
	v4 =	vadd.f32 v4, v10  }
0x10a: {  	v9 =	vld [tilespmem:s19+$0x6300]  }
0x10b: {  	v10 =	vld [tilespmem:s19+$0x6400];
	v8 =	vadd.f32 v12, v8  }
0x10c: {  	v12 =	vld [tilespmem:s19+$0x6500]  }
0x10d: {  	v14 =	vld [tilespmem:s19+$0x6600];
	v7 =	vadd.f32 v8, v7  }
0x10e: {  	v8 =	vld [tilespmem:s19+$0x6700]  }
0x10f: {  	v15 =	vld [tilespmem:s19+$0x6800];
	v4 =	vadd.f32 v7, v4  }
0x110: {  	v7 =	vld [tilespmem:s19+$0x6900]  }
0x111: {  	v16 =	vld [tilespmem:s19+$0x6A00];
	v4 =	vadd.f32 v4, v5  }
0x112: {  	v5 =	vld [tilespmem:s19+$0x6B00]  }
0x113: {  	v17 =	vld [tilespmem:s19+$0x6C00];
	[tilespmem:s16+$0x0] =	vst v4  }
0x114: {  	v4 =	vld [tilespmem:s19+$0x6D00]  }
0x115: {  	v18 =	vld [tilespmem:s19+$0x6E00]  }
0x116: {  	v19 =	vld [tilespmem:s19+$0x6F00]  }
0x117: {  	v20 =	vld [tilespmem:s17+$0xFFFFF800]  }
0x118: {  	v6 =	vadd.f32 v6, v13;
	v9 =	vadd.f32 v9, v11;
	v11 =	vld [tilespmem:s17+$0xFFFFF900]  }
0x119: {  	v10 =	vadd.f32 v12, v10;
	v8 =	vadd.f32 v8, v14;
	v12 =	vld [tilespmem:s17+$0xFFFFFA00]  }
0x11a: {  	v7 =	vadd.f32 v7, v15;
	v5 =	vadd.f32 v5, v16;
	v13 =	vld [tilespmem:s17+$0xFFFFFB00]  }
0x11b: {  	v4 =	vadd.f32 v4, v17;
	v14 =	vadd.f32 v19, v18;
	v15 =	vld [tilespmem:s17+$0xFFFFFC00]  }
0x11c: {  	v6 =	vadd.f32 v9, v6;
	v8 =	vadd.f32 v8, v10;
	v9 =	vld [tilespmem:s17+$0xFFFFFD00]  }
0x11d: {  	v5 =	vadd.f32 v5, v7;
	v4 =	vadd.f32 v14, v4;
	v10 =	vld [tilespmem:s17+$0xFFFFFE00]  }
0x11e: {  	v7 =	vadd.f32 v11, v20;
	v14 =	vld [tilespmem:s17+$0xFFFFFF00]  }
0x11f: {  	v6 =	vadd.f32 v8, v6;
	v4 =	vadd.f32 v4, v5;
	v11 =	vld [tilespmem:s17+$0x0]  }
0x120: {  	v5 =	vadd.f32 v13, v12;
	v16 =	vld [tilespmem:s17+$0x100]  }
.Ltmp3:
0x121: {  	v8 =	vadd.f32 v4, v6;
	v4 =	vld [tilespmem:s17+$0x200];
	v12 =	vadd.f32 v9, v15;
	(pc) =	sbr.rel @p0 .LBB2_8-.Ltmp3, $4  }
0x122: {  	s16 =	sadd.s32 $0x20, s16;
	v5 =	vadd.f32 v5, v7;
	v6 =	vld [tilespmem:s17+$0x300]  }
0x123: {  	[tilespmem:s16+$0xFFFFFFF0] =	vst v8;
	v7 =	vld [tilespmem:s17+$0x400];
	v13 =	vadd.f32 v14, v10  }
0x124: {  	v9 =	vld [tilespmem:s17+$0x500]  }
0x125: {  	v8 =	vld [tilespmem:s17+$0x600];
	v10 =	vadd.f32 v16, v11;
	v11 =	vadd.f32 v13, v12  }
0x126: {  	v12 =	vld [tilespmem:s17+$0x700];
	_ =	sdelay $0x3  }
0x127: {  	v4 =	vadd.f32 v6, v4  }
0x128: {  	v62 =	vadd.f32 v9, v7;
	v63 =	vadd.f32 v12, v8;
	_ =	sdelay $0x1  }
0x129: {  	v4 =	vadd.f32 v4, v10;
	v6 =	vadd.f32 v63, v62;
	_ =	sdelay $0x1  }
0x12a: {  	v5 =	vadd.f32 v11, v5;
	v4 =	vadd.f32 v6, v4;
	_ =	sdelay $0x1  }
0x12b: {  	v4 =	vadd.f32 v4, v5;
	_ =	sdelay $0x1  }
0x12c: {  	[tilespmem:s16+$0x0] =	vst v4  }
0x12d: {  	[hbm4b:s13+s29] =	stream.strided.scatter [tilespmem:s31], [sflag:$0x2], $0x100, s30, s29, $0x38;
	[tilespmem:$0x7200] =	vst v63  }
0x12e: {  	s0 =	sadd.s32 $0x1, s0;
	_ =	swait.ge [sflag:s1], $0x100  }
0x12f: {  	p0 =	sne.s32 s0, s15;
	[sflag:s1] =	ssyncset.done $0x0  }
.Ltmp4:
0x130: {  	[sflag:s1] =	ssyncadd.s32 $0xFFFFFF00;
	(pc) =	sbr.rel @p0 .LBB2_1-.Ltmp4, $4  }
0x131: {  	[hbm4b:s14+s29] =	stream.strided.scatter [tilespmem:s28], [sflag:$0x2], $0x100, s30, s29, $0x38;
	[tilespmem:$0x7200] =	vst v63  }
0x132: {  	_ =	swait.ge [sflag:s1], $0x100  }
0x133: {  	[sflag:s1] =	ssyncset.done $0x0  }
0x134: {  	[sflag:s1] =	ssyncadd.s32 $0xFFFFFF00  }
0x135: {  	_ =	sfence.sel $0x180000  }
0x136: {  	[bflag:$0x0] =	sbarrier.arrive $0xFFFF  }
0x137: {  	_ =	strace $0x90000047  }
0x138: {  	s0 =	stileid.u32;
	[bflag:$0x2] =	sbarrier.arrive $0xFFFF  }
0x139: {  	p0 =	sne.s32 s0, $0x0;
	s0 =	rddreg [dreg:$0x3]  }
0x13a: {  	s0 =	sadd.s32 @!p0 $0x100000, s0  }
0x13b: {  	[sflag:s0] =	ssyncadd.tile.s32 @!p0 $0x1;
	_ =	shalt  }
.Lfunc_end2:
_tile_overlayer_lowered:
.L_overlay_start_2:
0x13c: {  	(tag) =	ssettag $0x2  }
0x13d: {  	s0 =	rddreg [dreg:$0x0];
	s2 =	stileid.u32  }
0x13e: {  	s1 =	rddreg [dreg:$0x1];
	p0 =	sne.s32 s2, $0x0  }
0x13f: {  	s3 =	rddreg [dreg:$0x2];
	[bflag:$0x3] =	sbarrier.arrive $0xFFFF;
	s2 =	simm.s32 @!p0 $0x1C02  }
0x140: {  	[timem:s3], [sflag:s2] =	dma.local @!p0 [hbm:s0], s1  }
0x141: {  	s0 =	simm.s32 @!p0 $0x2  }
0x142: {  	_ =	swait.ge @!p0 [sflag:s0], s1  }
0x143: {  	s1 =	ssub.s32 @!p0 $0x0, s1;
	[sflag:s0] =	ssyncset.done @!p0 $0x0  }
0x144: {  	[sflag:s0] =	ssyncadd.s32 @!p0 s1  }
0x145: {  	[bflag:$0x3] =	sbarrier.arrive $0xFFFF  }
0x146: {  	_ =	shalt  }

</sc_bundles>
